<compile_context>
chip_gen: v7x
topology: tpu7x:2x2x1
jax: 0.10.2.dev20260603
libtpu: 0.0.44.dev20260713+nightly
codegen_flags: <defaults>
</compile_context>

<pallas_src>
import functools

import jax
import jax.numpy as jnp
from jax import lax
from jax.experimental import pallas as pl
from jax.experimental.pallas import tpu as pltpu
from jax.experimental.pallas import tpu_sc as plsc

N = 10000
E = 320000
D = 128

NC = 2
NS = 16
NW = NC * NS

CH = 96
NCHUNK = 105
EPW = NCHUNK * CH
EPAD = NW * EPW
NPAD = 10112
RPT = NPAD // NS


def _agg_body(x_hbm, src_hbm, dst_hbm, zeros_hbm, out0_hbm, out1_hbm,
              acc, src_v, di, rows, gsem, dsem, ssem, isem):
    c = lax.axis_index("c")
    s = lax.axis_index("s")
    wid = s * NC + c

    pltpu.async_copy(src_hbm.at[pl.ds(wid * EPW, EPW)], src_v, isem)
    pltpu.make_async_copy(src_hbm.at[pl.ds(wid * EPW, EPW)], src_v,
                          isem).wait()

    base = wid * EPW

    def gather(chunk, b):
        pltpu.async_copy(x_hbm.at[src_v.at[pl.ds(chunk * CH, CH)]],
                         rows[b], gsem[b])

    def gwait(b):
        pltpu.make_async_copy(x_hbm.at[src_v.at[pl.ds(0, CH)]], rows[b],
                              gsem[b]).wait()

    def dload(chunk, b):
        pltpu.async_copy(dst_hbm.at[pl.ds(base + chunk * CH, CH)],
                         di[b], dsem[b])

    def dwait(b):
        pltpu.make_async_copy(dst_hbm.at[pl.ds(base, CH)], di[b],
                              dsem[b]).wait()

    def scat(b):
        pltpu.async_copy(rows[b], acc.at[di[b]], ssem[b], add=True)

    def swait(b):
        pltpu.make_async_copy(rows[b], acc.at[di[b]], ssem[b]).wait()

    dload(0, 0)
    gather(0, 0)
    dload(1, 1)
    gather(1, 1)
    dload(2, 2)
    gather(2, 2)

    pltpu.sync_copy(zeros_hbm.at[pl.ds(s * RPT, RPT)],
                    acc.at[pl.ds(s * RPT, RPT)])
    plsc.subcore_barrier()

    gwait(0)
    dwait(0)
    scat(0)

    def step(chunk, b, prefetch):
        gwait(b)
        dwait(b)
        scat(b)
        if prefetch:
            b2 = (b + 2) % 3
            swait(b2)
            dload(chunk + 2, b2)
            gather(chunk + 2, b2)

    def body(u, carry):
        c0 = 3 * u + 1
        step(c0, 1, True)
        step(c0 + 1, 2, True)
        step(c0 + 2, 0, True)
        return carry

    lax.fori_loop(0, (NCHUNK - 3) // 3, body, 0)
    step(NCHUNK - 2, 1, False)
    step(NCHUNK - 1, 2, False)
    swait(0)
    swait(1)
    swait(2)

    plsc.subcore_barrier()

    @pl.when(c == 0)
    def _():
        pltpu.sync_copy(acc.at[pl.ds(s * RPT, RPT)],
                        out0_hbm.at[pl.ds(s * RPT, RPT)])

    @pl.when(c == 1)
    def _():
        pltpu.sync_copy(acc.at[pl.ds(s * RPT, RPT)],
                        out1_hbm.at[pl.ds(s * RPT, RPT)])


def _aggregate(x, src, dst, zeros_rows):
    mesh = plsc.VectorSubcoreMesh(core_axis_name="c", subcore_axis_name="s")
    f = pl.kernel(
        _agg_body,
        out_type=[jax.ShapeDtypeStruct((NPAD, D), jnp.float32),
                  jax.ShapeDtypeStruct((NPAD, D), jnp.float32)],
        mesh=mesh,
        scratch_types=[
            pltpu.VMEM_SHARED((NPAD, D), jnp.float32),
            pltpu.VMEM((EPW,), jnp.int32),
            [pltpu.VMEM((CH,), jnp.int32) for _ in range(3)],
            [pltpu.VMEM((CH, D), jnp.float32) for _ in range(3)],
            [pltpu.SemaphoreType.DMA for _ in range(3)],
            [pltpu.SemaphoreType.DMA for _ in range(3)],
            [pltpu.SemaphoreType.DMA for _ in range(3)],
            pltpu.SemaphoreType.DMA,
        ],
    )
    return f(x, src, dst, zeros_rows)


def _mlp_body(x_ref, p0_ref, p1_ref, scale_ref, wa_ref, ba_ref, wb_ref,
              bb_ref, o_ref, *, final):
    h = (x_ref[...] * scale_ref[...] + p0_ref[...] + p1_ref[...])
    t = lax.dot_general(h, wa_ref[...], (((1,), (1,)), ((), ())),
                        preferred_element_type=jnp.float32)
    t = jnp.maximum(t + ba_ref[...], 0.0)
    z = lax.dot_general(t, wb_ref[...], (((1,), (1,)), ((), ())),
                        preferred_element_type=jnp.float32)
    z = z + bb_ref[...]
    if final:
        m = jnp.max(z, axis=1, keepdims=True)
        e = jnp.exp(z - m)
        lse = jnp.log(jnp.sum(e, axis=1, keepdims=True)) + m
        o_ref[...] = z - lse
    else:
        o_ref[...] = jnp.maximum(z, 0.0)


def _mlp(x, p0, p1, scale, wa, ba, wb, bb, final):
    bn = 2000
    grid = (N // bn,)
    row_spec = pl.BlockSpec((bn, D), lambda i: (i, 0))
    full_spec = pl.BlockSpec((D, D), lambda i: (0, 0))
    vec_spec = pl.BlockSpec((1, D), lambda i: (0, 0))
    return pl.pallas_call(
        functools.partial(_mlp_body, final=final),
        grid=grid,
        in_specs=[row_spec, row_spec, row_spec, vec_spec,
                  full_spec, vec_spec, full_spec, vec_spec],
        out_specs=row_spec,
        out_shape=jax.ShapeDtypeStruct((N, D), jnp.float32),
    )(x, p0, p1, scale, wa, ba, wb, bb)


def kernel(x, edge_index, eps1, W1a, b1a, W1b, b1b, eps2, W2a, b2a, W2b, b2b):
    ei = edge_index.astype(jnp.int32)
    src = ei[0]
    dst = ei[1]
    npad_e = EPAD - E
    pad_iota = jnp.arange(npad_e, dtype=jnp.int32)
    src = jnp.concatenate([src, pad_iota % N])
    pad_dst = N + pad_iota % (NPAD - N)
    dst = jnp.concatenate([dst, pad_dst])
    zeros_rows = jnp.zeros((NPAD, D), jnp.float32)

    p10, p11 = _aggregate(x, src, dst, zeros_rows)
    scale1 = jnp.full((1, D), 1.0, jnp.float32) + eps1
    h = _mlp(x, p10, p11, scale1, W1a, b1a.reshape(1, D),
             W1b, b1b.reshape(1, D), final=False)

    p20, p21 = _aggregate(h, src, dst, zeros_rows)
    scale2 = jnp.full((1, D), 1.0, jnp.float32) + eps2
    out = _mlp(h, p20, p21, scale2, W2a, b2a.reshape(1, D),
               W2b, b2b.reshape(1, D), final=True)
    return out

# --- scband reference (transcript-rebuilt; emitter-appended) ---
"""Pipeline reference for scband-gin-62130996904043 (READ-ONLY COPY).

The authoritative reference and input builder live on the scoring server;
editing this copy changes nothing except your own understanding.
"""

import jax, jax.numpy as jnp
import numpy as np

N = 10000
E = 320000
D_IN = 128
D_H = 128
D_OUT = 128


def _linear_params(key, out_f, in_f):
    k1, k2 = jax.random.split(key)
    s = 1.0 / np.sqrt(in_f)
    W = jax.random.uniform(k1, (out_f, in_f), minval=-s, maxval=s, dtype=jnp.float32)
    b = jax.random.uniform(k2, (out_f,), minval=-s, maxval=s, dtype=jnp.float32)
    return W, b


def setup_inputs(seed: int = 0) -> dict:
    key = jax.random.key(seed)
    ks = jax.random.split(key, 6)
    x = jax.random.normal(ks[0], (N, D_IN), dtype=jnp.float32)
    edge_index = jax.random.randint(ks[1], (2, E), 0, N)
    W1a, b1a = _linear_params(ks[2], D_H, D_IN)
    W1b, b1b = _linear_params(ks[3], D_H, D_H)
    W2a, b2a = _linear_params(ks[4], D_H, D_H)
    W2b, b2b = _linear_params(ks[5], D_OUT, D_H)
    eps1 = jnp.zeros((), dtype=jnp.float32)
    eps2 = jnp.zeros((), dtype=jnp.float32)
    return {"x": x, "edge_index": edge_index,
            "eps1": eps1, "W1a": W1a, "b1a": b1a, "W1b": W1b, "b1b": b1b,
            "eps2": eps2, "W2a": W2a, "b2a": b2a, "W2b": W2b, "b2b": b2b}


def reference(x, edge_index, eps1, W1a, b1a, W1b, b1b, eps2, W2a, b2a, W2b, b2b):
    src = edge_index[0]
    dst = edge_index[1]
    # GINConv layer 1: (1+eps)*x + sum_{j in N(i)} x_j, then MLP
    agg1 = jnp.zeros_like(x).at[dst].add(x[src])
    h = (1.0 + eps1) * x + agg1
    h = jnp.maximum(h @ W1a.T + b1a, 0.0)
    h = h @ W1b.T + b1b
    # inter-layer ReLU (dropout is identity in eval mode)
    h = jnp.maximum(h, 0.0)
    # GINConv layer 2
    agg2 = jnp.zeros_like(h).at[dst].add(h[src])
    h2 = (1.0 + eps2) * h + agg2
    h2 = jnp.maximum(h2 @ W2a.T + b2a, 0.0)
    h2 = h2 @ W2b.T + b2b
    return jax.nn.log_softmax(h2, axis=1)

if __name__ == "__main__":
    import jax
    _d = setup_inputs()
    print(jax.jit(kernel)(*tuple(_d.values())))

</pallas_src>

<mosaic_0001>
#map = affine_map<(d0, d1) -> (0, 0)>
#map1 = affine_map<(d0, d1) -> (0)>
module attributes {stable_mosaic.version = 14 : i64} {
  func.func @_agg_body(%arg0: i32, %arg1: i32, %arg2: memref<10000x128xf32, #tpu.memory_space<hbm>>, %arg3: memref<322560xi32, #tpu.memory_space<hbm>>, %arg4: memref<322560xi32, #tpu.memory_space<hbm>>, %arg5: memref<10112x128xf32, #tpu.memory_space<hbm>>, %arg6: memref<10112x128xf32, #tpu.memory_space<hbm>>, %arg7: memref<10112x128xf32, #tpu.memory_space<hbm>>, %arg8: memref<10112x128xf32, #tpu.memory_space<vmem_shared>>, %arg9: memref<10080xi32, #tpu.memory_space<vmem>>, %arg10: memref<96xi32, #tpu.memory_space<vmem>>, %arg11: memref<96xi32, #tpu.memory_space<vmem>>, %arg12: memref<96xi32, #tpu.memory_space<vmem>>, %arg13: memref<96x128xf32, #tpu.memory_space<vmem>>, %arg14: memref<96x128xf32, #tpu.memory_space<vmem>>, %arg15: memref<96x128xf32, #tpu.memory_space<vmem>>, %arg16: memref<!tpu.dma_semaphore, #tpu.memory_space<semaphore_mem>>, %arg17: memref<!tpu.dma_semaphore, #tpu.memory_space<semaphore_mem>>, %arg18: memref<!tpu.dma_semaphore, #tpu.memory_space<semaphore_mem>>, %arg19: memref<!tpu.dma_semaphore, #tpu.memory_space<semaphore_mem>>, %arg20: memref<!tpu.dma_semaphore, #tpu.memory_space<semaphore_mem>>, %arg21: memref<!tpu.dma_semaphore, #tpu.memory_space<semaphore_mem>>, %arg22: memref<!tpu.dma_semaphore, #tpu.memory_space<semaphore_mem>>, %arg23: memref<!tpu.dma_semaphore, #tpu.memory_space<semaphore_mem>>, %arg24: memref<!tpu.dma_semaphore, #tpu.memory_space<semaphore_mem>>, %arg25: memref<!tpu.dma_semaphore, #tpu.memory_space<semaphore_mem>>) attributes {dimension_semantics = [#tpu.dimension_semantics<core_parallel>, #tpu.dimension_semantics<subcore_parallel>], iteration_bounds = array<i64: 2, 16>, scalar_prefetch = 0 : i64, scratch_operands = 18 : i64, tpu.core_type = #tpu.core_type<sc_vector_subcore>, window_params = [{transform_indices = #map}, {transform_indices = #map1}, {transform_indices = #map1}, {transform_indices = #map}, {transform_indices = #map}, {transform_indices = #map}]} {
    %mul3A = arith.constant 2 : i32
    %mul3A_0 = arith.muli %arg1, %mul3A : i32
    %add3A = arith.addi %mul3A_0, %arg0 : i32
    %mul3A_1 = arith.constant 10080 : i32
    %mul3A_2 = arith.muli %add3A, %mul3A_1 : i32
    %dma_start3A = tpu.memref_slice %arg3[%mul3A_2] : memref<322560xi32, #tpu.memory_space<hbm>> -> memref<10080xi32, #tpu.memory_space<hbm>>
    %dma_start3A_3 = tpu.memref_slice %arg3[%mul3A_2] : memref<322560xi32, #tpu.memory_space<hbm>> -> memref<10080xi32, #tpu.memory_space<hbm>>
    tpu.enqueue_dma source(%dma_start3A_3 : memref<10080xi32, #tpu.memory_space<hbm>>) target(%arg9 : memref<10080xi32, #tpu.memory_space<vmem>>) target_semaphore(%arg25 : memref<!tpu.dma_semaphore, #tpu.memory_space<semaphore_mem>>)
    %mul3A_4 = arith.constant 10080 : i32
    %mul3A_5 = arith.muli %add3A, %mul3A_4 : i32
    %dma_wait3A = tpu.memref_slice %arg3[%mul3A_5] : memref<322560xi32, #tpu.memory_space<hbm>> -> memref<10080xi32, #tpu.memory_space<hbm>>
    %dma_wait3A_6 = tpu.memref_slice %arg3[%mul3A_5] : memref<322560xi32, #tpu.memory_space<hbm>> -> memref<10080xi32, #tpu.memory_space<hbm>>
    tpu.wait_dma2 semaphore(%arg25 : memref<!tpu.dma_semaphore, #tpu.memory_space<semaphore_mem>>) src(%dma_wait3A_6 : memref<10080xi32, #tpu.memory_space<hbm>>) dst(%arg9 : memref<10080xi32, #tpu.memory_space<vmem>>)
    %mul3A_7 = arith.constant 10080 : i32
    %mul3A_8 = arith.muli %add3A, %mul3A_7 : i32
    %add3A_9 = arith.constant 0 : i32
    %add3A_10 = arith.addi %mul3A_8, %add3A_9 : i32
    %dma_start3A_11 = tpu.memref_slice %arg4[%add3A_10] : memref<322560xi32, #tpu.memory_space<hbm>> -> memref<96xi32, #tpu.memory_space<hbm>>
    %dma_start3A_12 = tpu.memref_slice %arg4[%add3A_10] : memref<322560xi32, #tpu.memory_space<hbm>> -> memref<96xi32, #tpu.memory_space<hbm>>
    tpu.enqueue_dma source(%dma_start3A_12 : memref<96xi32, #tpu.memory_space<hbm>>) target(%arg10 : memref<96xi32, #tpu.memory_space<vmem>>) target_semaphore(%arg19 : memref<!tpu.dma_semaphore, #tpu.memory_space<semaphore_mem>>)
    %dma_start3A_13 = arith.constant 0 : i32
    %dma_start3A_14 = tpu.memref_slice %arg9[%dma_start3A_13] : memref<10080xi32, #tpu.memory_space<vmem>> -> memref<96xi32, #tpu.memory_space<vmem>>
    %dma_start3A_15 = arith.constant 0 : i32
    %dma_start3A_16 = arith.constant 0 : i32
    %dma_start3A_17 = tpu.memref_slice %arg2[%dma_start3A_15, %dma_start3A_16] : memref<10000x128xf32, #tpu.memory_space<hbm>> -> memref<10000x128xf32, #tpu.memory_space<hbm>>
    tpu.enqueue_indirect_dma source(%dma_start3A_17 : memref<10000x128xf32, #tpu.memory_space<hbm>>) target(%arg13 : memref<96x128xf32, #tpu.memory_space<vmem>>) offsets(%dma_start3A_14 : memref<96xi32, #tpu.memory_space<vmem>>) semaphore(%arg16 : memref<!tpu.dma_semaphore, #tpu.memory_space<semaphore_mem>>)
    %add3A_18 = arith.constant 96 : i32
    %add3A_19 = arith.addi %mul3A_8, %add3A_18 : i32
    %dma_start3A_20 = tpu.memref_slice %arg4[%add3A_19] : memref<322560xi32, #tpu.memory_space<hbm>> -> memref<96xi32, #tpu.memory_space<hbm>>
    %dma_start3A_21 = tpu.memref_slice %arg4[%add3A_19] : memref<322560xi32, #tpu.memory_space<hbm>> -> memref<96xi32, #tpu.memory_space<hbm>>
    tpu.enqueue_dma source(%dma_start3A_21 : memref<96xi32, #tpu.memory_space<hbm>>) target(%arg11 : memref<96xi32, #tpu.memory_space<vmem>>) target_semaphore(%arg20 : memref<!tpu.dma_semaphore, #tpu.memory_space<semaphore_mem>>)
    %dma_start3A_22 = arith.constant 96 : i32
    %dma_start3A_23 = tpu.memref_slice %arg9[%dma_start3A_22] : memref<10080xi32, #tpu.memory_space<vmem>> -> memref<96xi32, #tpu.memory_space<vmem>>
    %dma_start3A_24 = arith.constant 0 : i32
    %dma_start3A_25 = arith.constant 0 : i32
    %dma_start3A_26 = tpu.memref_slice %arg2[%dma_start3A_24, %dma_start3A_25] : memref<10000x128xf32, #tpu.memory_space<hbm>> -> memref<10000x128xf32, #tpu.memory_space<hbm>>
    tpu.enqueue_indirect_dma source(%dma_start3A_26 : memref<10000x128xf32, #tpu.memory_space<hbm>>) target(%arg14 : memref<96x128xf32, #tpu.memory_space<vmem>>) offsets(%dma_start3A_23 : memref<96xi32, #tpu.memory_space<vmem>>) semaphore(%arg17 : memref<!tpu.dma_semaphore, #tpu.memory_space<semaphore_mem>>)
    %add3A_27 = arith.constant 192 : i32
    %add3A_28 = arith.addi %mul3A_8, %add3A_27 : i32
    %dma_start3A_29 = tpu.memref_slice %arg4[%add3A_28] : memref<322560xi32, #tpu.memory_space<hbm>> -> memref<96xi32, #tpu.memory_space<hbm>>
    %dma_start3A_30 = tpu.memref_slice %arg4[%add3A_28] : memref<322560xi32, #tpu.memory_space<hbm>> -> memref<96xi32, #tpu.memory_space<hbm>>
    tpu.enqueue_dma source(%dma_start3A_30 : memref<96xi32, #tpu.memory_space<hbm>>) target(%arg12 : memref<96xi32, #tpu.memory_space<vmem>>) target_semaphore(%arg21 : memref<!tpu.dma_semaphore, #tpu.memory_space<semaphore_mem>>)
    %dma_start3A_31 = arith.constant 192 : i32
    %dma_start3A_32 = tpu.memref_slice %arg9[%dma_start3A_31] : memref<10080xi32, #tpu.memory_space<vmem>> -> memref<96xi32, #tpu.memory_space<vmem>>
    %dma_start3A_33 = arith.constant 0 : i32
    %dma_start3A_34 = arith.constant 0 : i32
    %dma_start3A_35 = tpu.memref_slice %arg2[%dma_start3A_33, %dma_start3A_34] : memref<10000x128xf32, #tpu.memory_space<hbm>> -> memref<10000x128xf32, #tpu.memory_space<hbm>>
    tpu.enqueue_indirect_dma source(%dma_start3A_35 : memref<10000x128xf32, #tpu.memory_space<hbm>>) target(%arg15 : memref<96x128xf32, #tpu.memory_space<vmem>>) offsets(%dma_start3A_32 : memref<96xi32, #tpu.memory_space<vmem>>) semaphore(%arg18 : memref<!tpu.dma_semaphore, #tpu.memory_space<semaphore_mem>>)
    %mul3A_36 = arith.constant 632 : i32
    %mul3A_37 = arith.muli %arg1, %mul3A_36 : i32
    %mul3A_38 = arith.constant 632 : i32
    %mul3A_39 = arith.muli %arg1, %mul3A_38 : i32
    "tpu.region"() ({
      %run_scoped3A = tpu.sem_alloc : memref<!tpu.dma_semaphore, #tpu.memory_space<semaphore_mem>>
      %dma_start3A_92 = arith.constant 0 : i32
      %dma_start3A_93 = tpu.memref_slice %arg8[%mul3A_39, %dma_start3A_92] : memref<10112x128xf32, #tpu.memory_space<vmem_shared>> -> memref<632x128xf32, #tpu.memory_space<vmem_shared>>
      %dma_start3A_94 = arith.constant 0 : i32
      %dma_start3A_95 = tpu.memref_slice %arg5[%mul3A_37, %dma_start3A_94] : memref<10112x128xf32, #tpu.memory_space<hbm>> -> memref<632x128xf32, #tpu.memory_space<hbm>>
      tpu.enqueue_dma source(%dma_start3A_95 : memref<632x128xf32, #tpu.memory_space<hbm>>) target(%dma_start3A_93 : memref<632x128xf32, #tpu.memory_space<vmem_shared>>) target_semaphore(%run_scoped3A : memref<!tpu.dma_semaphore, #tpu.memory_space<semaphore_mem>>)
      %dma_wait3A_96 = arith.constant 0 : i32
      %dma_wait3A_97 = tpu.memref_slice %arg8[%mul3A_39, %dma_wait3A_96] : memref<10112x128xf32, #tpu.memory_space<vmem_shared>> -> memref<632x128xf32, #tpu.memory_space<vmem_shared>>
      %dma_wait3A_98 = arith.constant 0 : i32
      %dma_wait3A_99 = tpu.memref_slice %arg5[%mul3A_37, %dma_wait3A_98] : memref<10112x128xf32, #tpu.memory_space<hbm>> -> memref<632x128xf32, #tpu.memory_space<hbm>>
      tpu.wait_dma2 semaphore(%run_scoped3A : memref<!tpu.dma_semaphore, #tpu.memory_space<semaphore_mem>>) src(%dma_wait3A_99 : memref<632x128xf32, #tpu.memory_space<hbm>>) dst(%dma_wait3A_97 : memref<632x128xf32, #tpu.memory_space<vmem_shared>>)
      tpu.yield
    }) : () -> ()
    %barrier3A = arith.constant 0 : index
    tpu.barrier barrier_id(%barrier3A)
    %dma_wait3A_40 = arith.constant 0 : i32
    %dma_wait3A_41 = tpu.memref_slice %arg9[%dma_wait3A_40] : memref<10080xi32, #tpu.memory_space<vmem>> -> memref<96xi32, #tpu.memory_space<vmem>>
    %dma_wait3A_42 = arith.constant 0 : i32
    %dma_wait3A_43 = arith.constant 0 : i32
    %dma_wait3A_44 = tpu.memref_slice %arg2[%dma_wait3A_42, %dma_wait3A_43] : memref<10000x128xf32, #tpu.memory_space<hbm>> -> memref<10000x128xf32, #tpu.memory_space<hbm>>
    tpu.wait_indirect_dma semaphore(%arg16 : memref<!tpu.dma_semaphore, #tpu.memory_space<semaphore_mem>>) src(%dma_wait3A_44 : memref<10000x128xf32, #tpu.memory_space<hbm>>) dst(%arg13 : memref<96x128xf32, #tpu.memory_space<vmem>>)
    %dma_wait3A_45 = tpu.memref_slice %arg4[%mul3A_8] : memref<322560xi32, #tpu.memory_space<hbm>> -> memref<96xi32, #tpu.memory_space<hbm>>
    %dma_wait3A_46 = tpu.memref_slice %arg4[%mul3A_8] : memref<322560xi32, #tpu.memory_space<hbm>> -> memref<96xi32, #tpu.memory_space<hbm>>
    tpu.wait_dma2 semaphore(%arg19 : memref<!tpu.dma_semaphore, #tpu.memory_space<semaphore_mem>>) src(%dma_wait3A_46 : memref<96xi32, #tpu.memory_space<hbm>>) dst(%arg10 : memref<96xi32, #tpu.memory_space<vmem>>)
    %dma_start3A_47 = arith.constant 0 : i32
    %dma_start3A_48 = arith.constant 0 : i32
    %dma_start3A_49 = tpu.memref_slice %arg8[%dma_start3A_47, %dma_start3A_48] : memref<10112x128xf32, #tpu.memory_space<vmem_shared>> -> memref<10112x128xf32, #tpu.memory_space<vmem_shared>>
    tpu.enqueue_indirect_dma source(%arg13 : memref<96x128xf32, #tpu.memory_space<vmem>>) target(%dma_start3A_49 : memref<10112x128xf32, #tpu.memory_space<vmem_shared>>) offsets(%arg10 : memref<96xi32, #tpu.memory_space<vmem>>) semaphore(%arg22 : memref<!tpu.dma_semaphore, #tpu.memory_space<semaphore_mem>>) {add = true}
    %scan3A = arith.constant 0 : i32
    %scan3A_50 = arith.constant 0 : i32
    %scan3A_51 = arith.constant 34 : i32
    %scan3A_52 = arith.addi %scan3A_50, %scan3A_51 : i32
    %scan3A_53 = arith.constant 1 : i32
    scf.for %scan3A_92 = %scan3A_50 to %scan3A_52 step %scan3A_53  : i32 {
      %mul3A_93 = arith.constant 3 : i32
      %mul3A_94 = arith.muli %mul3A_93, %scan3A_92 : i32
      %add3A_95 = arith.constant 1 : i32
      %add3A_96 = arith.addi %mul3A_94, %add3A_95 : i32
      %dma_wait3A_97 = arith.constant 0 : i32
      %dma_wait3A_98 = tpu.memref_slice %arg9[%dma_wait3A_97] : memref<10080xi32, #tpu.memory_space<vmem>> -> memref<96xi32, #tpu.memory_space<vmem>>
      %dma_wait3A_99 = arith.constant 0 : i32
      %dma_wait3A_100 = arith.constant 0 : i32
      %dma_wait3A_101 = tpu.memref_slice %arg2[%dma_wait3A_99, %dma_wait3A_100] : memref<10000x128xf32, #tpu.memory_space<hbm>> -> memref<10000x128xf32, #tpu.memory_space<hbm>>
      tpu.wait_indirect_dma semaphore(%arg17 : memref<!tpu.dma_semaphore, #tpu.memory_space<semaphore_mem>>) src(%dma_wait3A_101 : memref<10000x128xf32, #tpu.memory_space<hbm>>) dst(%arg14 : memref<96x128xf32, #tpu.memory_space<vmem>>)
      %dma_wait3A_102 = tpu.memref_slice %arg4[%mul3A_8] : memref<322560xi32, #tpu.memory_space<hbm>> -> memref<96xi32, #tpu.memory_space<hbm>>
      %dma_wait3A_103 = tpu.memref_slice %arg4[%mul3A_8] : memref<322560xi32, #tpu.memory_space<hbm>> -> memref<96xi32, #tpu.memory_space<hbm>>
      tpu.wait_dma2 semaphore(%arg20 : memref<!tpu.dma_semaphore, #tpu.memory_space<semaphore_mem>>) src(%dma_wait3A_103 : memref<96xi32, #tpu.memory_space<hbm>>) dst(%arg11 : memref<96xi32, #tpu.memory_space<vmem>>)
      %dma_start3A_104 = arith.constant 0 : i32
      %dma_start3A_105 = arith.constant 0 : i32
      %dma_start3A_106 = tpu.memref_slice %arg8[%dma_start3A_104, %dma_start3A_105] : memref<10112x128xf32, #tpu.memory_space<vmem_shared>> -> memref<10112x128xf32, #tpu.memory_space<vmem_shared>>
      tpu.enqueue_indirect_dma source(%arg14 : memref<96x128xf32, #tpu.memory_space<vmem>>) target(%dma_start3A_106 : memref<10112x128xf32, #tpu.memory_space<vmem_shared>>) offsets(%arg11 : memref<96xi32, #tpu.memory_space<vmem>>) semaphore(%arg23 : memref<!tpu.dma_semaphore, #tpu.memory_space<semaphore_mem>>) {add = true}
      %dma_wait3A_107 = arith.constant 0 : i32
      %dma_wait3A_108 = arith.constant 0 : i32
      %dma_wait3A_109 = tpu.memref_slice %arg8[%dma_wait3A_107, %dma_wait3A_108] : memref<10112x128xf32, #tpu.memory_space<vmem_shared>> -> memref<10112x128xf32, #tpu.memory_space<vmem_shared>>
      tpu.wait_indirect_dma semaphore(%arg22 : memref<!tpu.dma_semaphore, #tpu.memory_space<semaphore_mem>>) src(%arg13 : memref<96x128xf32, #tpu.memory_space<vmem>>) dst(%dma_wait3A_109 : memref<10112x128xf32, #tpu.memory_space<vmem_shared>>)
      %add3A_110 = arith.constant 2 : i32
      %add3A_111 = arith.addi %add3A_96, %add3A_110 : i32
      %mul3A_112 = arith.constant 96 : i32
      %mul3A_113 = arith.muli %add3A_111, %mul3A_112 : i32
      %add3A_114 = arith.addi %mul3A_8, %mul3A_113 : i32
      %dma_start3A_115 = tpu.memref_slice %arg4[%add3A_114] : memref<322560xi32, #tpu.memory_space<hbm>> -> memref<96xi32, #tpu.memory_space<hbm>>
      %dma_start3A_116 = tpu.memref_slice %arg4[%add3A_114] : memref<322560xi32, #tpu.memory_space<hbm>> -> memref<96xi32, #tpu.memory_space<hbm>>
      tpu.enqueue_dma source(%dma_start3A_116 : memref<96xi32, #tpu.memory_space<hbm>>) target(%arg10 : memref<96xi32, #tpu.memory_space<vmem>>) target_semaphore(%arg19 : memref<!tpu.dma_semaphore, #tpu.memory_space<semaphore_mem>>)
      %add3A_117 = arith.constant 2 : i32
      %add3A_118 = arith.addi %add3A_96, %add3A_117 : i32
      %mul3A_119 = arith.constant 96 : i32
      %mul3A_120 = arith.muli %add3A_118, %mul3A_119 : i32
      %dma_start3A_121 = tpu.memref_slice %arg9[%mul3A_120] : memref<10080xi32, #tpu.memory_space<vmem>> -> memref<96xi32, #tpu.memory_space<vmem>>
      %dma_start3A_122 = arith.constant 0 : i32
      %dma_start3A_123 = arith.constant 0 : i32
      %dma_start3A_124 = tpu.memref_slice %arg2[%dma_start3A_122, %dma_start3A_123] : memref<10000x128xf32, #tpu.memory_space<hbm>> -> memref<10000x128xf32, #tpu.memory_space<hbm>>
      tpu.enqueue_indirect_dma source(%dma_start3A_124 : memref<10000x128xf32, #tpu.memory_space<hbm>>) target(%arg13 : memref<96x128xf32, #tpu.memory_space<vmem>>) offsets(%dma_start3A_121 : memref<96xi32, #tpu.memory_space<vmem>>) semaphore(%arg16 : memref<!tpu.dma_semaphore, #tpu.memory_space<semaphore_mem>>)
      %add3A_125 = arith.constant 1 : i32
      %add3A_126 = arith.addi %add3A_96, %add3A_125 : i32
      %dma_wait3A_127 = arith.constant 0 : i32
      %dma_wait3A_128 = tpu.memref_slice %arg9[%dma_wait3A_127] : memref<10080xi32, #tpu.memory_space<vmem>> -> memref<96xi32, #tpu.memory_space<vmem>>
      %dma_wait3A_129 = arith.constant 0 : i32
      %dma_wait3A_130 = arith.constant 0 : i32
      %dma_wait3A_131 = tpu.memref_slice %arg2[%dma_wait3A_129, %dma_wait3A_130] : memref<10000x128xf32, #tpu.memory_space<hbm>> -> memref<10000x128xf32, #tpu.memory_space<hbm>>
      tpu.wait_indirect_dma semaphore(%arg18 : memref<!tpu.dma_semaphore, #tpu.memory_space<semaphore_mem>>) src(%dma_wait3A_131 : memref<10000x128xf32, #tpu.memory_space<hbm>>) dst(%arg15 : memref<96x128xf32, #tpu.memory_space<vmem>>)
      %dma_wait3A_132 = tpu.memref_slice %arg4[%mul3A_8] : memref<322560xi32, #tpu.memory_space<hbm>> -> memref<96xi32, #tpu.memory_space<hbm>>
      %dma_wait3A_133 = tpu.memref_slice %arg4[%mul3A_8] : memref<322560xi32, #tpu.memory_space<hbm>> -> memref<96xi32, #tpu.memory_space<hbm>>
      tpu.wait_dma2 semaphore(%arg21 : memref<!tpu.dma_semaphore, #tpu.memory_space<semaphore_mem>>) src(%dma_wait3A_133 : memref<96xi32, #tpu.memory_space<hbm>>) dst(%arg12 : memref<96xi32, #tpu.memory_space<vmem>>)
      %dma_start3A_134 = arith.constant 0 : i32
      %dma_start3A_135 = arith.constant 0 : i32
      %dma_start3A_136 = tpu.memref_slice %arg8[%dma_start3A_134, %dma_start3A_135] : memref<10112x128xf32, #tpu.memory_space<vmem_shared>> -> memref<10112x128xf32, #tpu.memory_space<vmem_shared>>
      tpu.enqueue_indirect_dma source(%arg15 : memref<96x128xf32, #tpu.memory_space<vmem>>) target(%dma_start3A_136 : memref<10112x128xf32, #tpu.memory_space<vmem_shared>>) offsets(%arg12 : memref<96xi32, #tpu.memory_space<vmem>>) semaphore(%arg24 : memref<!tpu.dma_semaphore, #tpu.memory_space<semaphore_mem>>) {add = true}
      %dma_wait3A_137 = arith.constant 0 : i32
      %dma_wait3A_138 = arith.constant 0 : i32
      %dma_wait3A_139 = tpu.memref_slice %arg8[%dma_wait3A_137, %dma_wait3A_138] : memref<10112x128xf32, #tpu.memory_space<vmem_shared>> -> memref<10112x128xf32, #tpu.memory_space<vmem_shared>>
      tpu.wait_indirect_dma semaphore(%arg23 : memref<!tpu.dma_semaphore, #tpu.memory_space<semaphore_mem>>) src(%arg14 : memref<96x128xf32, #tpu.memory_space<vmem>>) dst(%dma_wait3A_139 : memref<10112x128xf32, #tpu.memory_space<vmem_shared>>)
      %add3A_140 = arith.constant 2 : i32
      %add3A_141 = arith.addi %add3A_126, %add3A_140 : i32
      %mul3A_142 = arith.constant 96 : i32
      %mul3A_143 = arith.muli %add3A_141, %mul3A_142 : i32
      %add3A_144 = arith.addi %mul3A_8, %mul3A_143 : i32
      %dma_start3A_145 = tpu.memref_slice %arg4[%add3A_144] : memref<322560xi32, #tpu.memory_space<hbm>> -> memref<96xi32, #tpu.memory_space<hbm>>
      %dma_start3A_146 = tpu.memref_slice %arg4[%add3A_144] : memref<322560xi32, #tpu.memory_space<hbm>> -> memref<96xi32, #tpu.memory_space<hbm>>
      tpu.enqueue_dma source(%dma_start3A_146 : memref<96xi32, #tpu.memory_space<hbm>>) target(%arg11 : memref<96xi32, #tpu.memory_space<vmem>>) target_semaphore(%arg20 : memref<!tpu.dma_semaphore, #tpu.memory_space<semaphore_mem>>)
      %add3A_147 = arith.constant 2 : i32
      %add3A_148 = arith.addi %add3A_126, %add3A_147 : i32
      %mul3A_149 = arith.constant 96 : i32
      %mul3A_150 = arith.muli %add3A_148, %mul3A_149 : i32
      %dma_start3A_151 = tpu.memref_slice %arg9[%mul3A_150] : memref<10080xi32, #tpu.memory_space<vmem>> -> memref<96xi32, #tpu.memory_space<vmem>>
      %dma_start3A_152 = arith.constant 0 : i32
      %dma_start3A_153 = arith.constant 0 : i32
      %dma_start3A_154 = tpu.memref_slice %arg2[%dma_start3A_152, %dma_start3A_153] : memref<10000x128xf32, #tpu.memory_space<hbm>> -> memref<10000x128xf32, #tpu.memory_space<hbm>>
      tpu.enqueue_indirect_dma source(%dma_start3A_154 : memref<10000x128xf32, #tpu.memory_space<hbm>>) target(%arg14 : memref<96x128xf32, #tpu.memory_space<vmem>>) offsets(%dma_start3A_151 : memref<96xi32, #tpu.memory_space<vmem>>) semaphore(%arg17 : memref<!tpu.dma_semaphore, #tpu.memory_space<semaphore_mem>>)
      %add3A_155 = arith.constant 2 : i32
      %add3A_156 = arith.addi %add3A_96, %add3A_155 : i32
      %dma_wait3A_157 = arith.constant 0 : i32
      %dma_wait3A_158 = tpu.memref_slice %arg9[%dma_wait3A_157] : memref<10080xi32, #tpu.memory_space<vmem>> -> memref<96xi32, #tpu.memory_space<vmem>>
      %dma_wait3A_159 = arith.constant 0 : i32
      %dma_wait3A_160 = arith.constant 0 : i32
      %dma_wait3A_161 = tpu.memref_slice %arg2[%dma_wait3A_159, %dma_wait3A_160] : memref<10000x128xf32, #tpu.memory_space<hbm>> -> memref<10000x128xf32, #tpu.memory_space<hbm>>
      tpu.wait_indirect_dma semaphore(%arg16 : memref<!tpu.dma_semaphore, #tpu.memory_space<semaphore_mem>>) src(%dma_wait3A_161 : memref<10000x128xf32, #tpu.memory_space<hbm>>) dst(%arg13 : memref<96x128xf32, #tpu.memory_space<vmem>>)
      %dma_wait3A_162 = tpu.memref_slice %arg4[%mul3A_8] : memref<322560xi32, #tpu.memory_space<hbm>> -> memref<96xi32, #tpu.memory_space<hbm>>
      %dma_wait3A_163 = tpu.memref_slice %arg4[%mul3A_8] : memref<322560xi32, #tpu.memory_space<hbm>> -> memref<96xi32, #tpu.memory_space<hbm>>
      tpu.wait_dma2 semaphore(%arg19 : memref<!tpu.dma_semaphore, #tpu.memory_space<semaphore_mem>>) src(%dma_wait3A_163 : memref<96xi32, #tpu.memory_space<hbm>>) dst(%arg10 : memref<96xi32, #tpu.memory_space<vmem>>)
      %dma_start3A_164 = arith.constant 0 : i32
      %dma_start3A_165 = arith.constant 0 : i32
      %dma_start3A_166 = tpu.memref_slice %arg8[%dma_start3A_164, %dma_start3A_165] : memref<10112x128xf32, #tpu.memory_space<vmem_shared>> -> memref<10112x128xf32, #tpu.memory_space<vmem_shared>>
      tpu.enqueue_indirect_dma source(%arg13 : memref<96x128xf32, #tpu.memory_space<vmem>>) target(%dma_start3A_166 : memref<10112x128xf32, #tpu.memory_space<vmem_shared>>) offsets(%arg10 : memref<96xi32, #tpu.memory_space<vmem>>) semaphore(%arg22 : memref<!tpu.dma_semaphore, #tpu.memory_space<semaphore_mem>>) {add = true}
      %dma_wait3A_167 = arith.constant 0 : i32
      %dma_wait3A_168 = arith.constant 0 : i32
      %dma_wait3A_169 = tpu.memref_slice %arg8[%dma_wait3A_167, %dma_wait3A_168] : memref<10112x128xf32, #tpu.memory_space<vmem_shared>> -> memref<10112x128xf32, #tpu.memory_space<vmem_shared>>
      tpu.wait_indirect_dma semaphore(%arg24 : memref<!tpu.dma_semaphore, #tpu.memory_space<semaphore_mem>>) src(%arg15 : memref<96x128xf32, #tpu.memory_space<vmem>>) dst(%dma_wait3A_169 : memref<10112x128xf32, #tpu.memory_space<vmem_shared>>)
      %add3A_170 = arith.constant 2 : i32
      %add3A_171 = arith.addi %add3A_156, %add3A_170 : i32
      %mul3A_172 = arith.constant 96 : i32
      %mul3A_173 = arith.muli %add3A_171, %mul3A_172 : i32
      %add3A_174 = arith.addi %mul3A_8, %mul3A_173 : i32
      %dma_start3A_175 = tpu.memref_slice %arg4[%add3A_174] : memref<322560xi32, #tpu.memory_space<hbm>> -> memref<96xi32, #tpu.memory_space<hbm>>
      %dma_start3A_176 = tpu.memref_slice %arg4[%add3A_174] : memref<322560xi32, #tpu.memory_space<hbm>> -> memref<96xi32, #tpu.memory_space<hbm>>
      tpu.enqueue_dma source(%dma_start3A_176 : memref<96xi32, #tpu.memory_space<hbm>>) target(%arg12 : memref<96xi32, #tpu.memory_space<vmem>>) target_semaphore(%arg21 : memref<!tpu.dma_semaphore, #tpu.memory_space<semaphore_mem>>)
      %add3A_177 = arith.constant 2 : i32
      %add3A_178 = arith.addi %add3A_156, %add3A_177 : i32
      %mul3A_179 = arith.constant 96 : i32
      %mul3A_180 = arith.muli %add3A_178, %mul3A_179 : i32
      %dma_start3A_181 = tpu.memref_slice %arg9[%mul3A_180] : memref<10080xi32, #tpu.memory_space<vmem>> -> memref<96xi32, #tpu.memory_space<vmem>>
      %dma_start3A_182 = arith.constant 0 : i32
      %dma_start3A_183 = arith.constant 0 : i32
      %dma_start3A_184 = tpu.memref_slice %arg2[%dma_start3A_182, %dma_start3A_183] : memref<10000x128xf32, #tpu.memory_space<hbm>> -> memref<10000x128xf32, #tpu.memory_space<hbm>>
      tpu.enqueue_indirect_dma source(%dma_start3A_184 : memref<10000x128xf32, #tpu.memory_space<hbm>>) target(%arg15 : memref<96x128xf32, #tpu.memory_space<vmem>>) offsets(%dma_start3A_181 : memref<96xi32, #tpu.memory_space<vmem>>) semaphore(%arg18 : memref<!tpu.dma_semaphore, #tpu.memory_space<semaphore_mem>>)
    }
    %scan3A_54 = arith.constant 34 : i32
    %dma_wait3A_55 = arith.constant 0 : i32
    %dma_wait3A_56 = tpu.memref_slice %arg9[%dma_wait3A_55] : memref<10080xi32, #tpu.memory_space<vmem>> -> memref<96xi32, #tpu.memory_space<vmem>>
    %dma_wait3A_57 = arith.constant 0 : i32
    %dma_wait3A_58 = arith.constant 0 : i32
    %dma_wait3A_59 = tpu.memref_slice %arg2[%dma_wait3A_57, %dma_wait3A_58] : memref<10000x128xf32, #tpu.memory_space<hbm>> -> memref<10000x128xf32, #tpu.memory_space<hbm>>
    tpu.wait_indirect_dma semaphore(%arg17 : memref<!tpu.dma_semaphore, #tpu.memory_space<semaphore_mem>>) src(%dma_wait3A_59 : memref<10000x128xf32, #tpu.memory_space<hbm>>) dst(%arg14 : memref<96x128xf32, #tpu.memory_space<vmem>>)
    %dma_wait3A_60 = tpu.memref_slice %arg4[%mul3A_8] : memref<322560xi32, #tpu.memory_space<hbm>> -> memref<96xi32, #tpu.memory_space<hbm>>
    %dma_wait3A_61 = tpu.memref_slice %arg4[%mul3A_8] : memref<322560xi32, #tpu.memory_space<hbm>> -> memref<96xi32, #tpu.memory_space<hbm>>
    tpu.wait_dma2 semaphore(%arg20 : memref<!tpu.dma_semaphore, #tpu.memory_space<semaphore_mem>>) src(%dma_wait3A_61 : memref<96xi32, #tpu.memory_space<hbm>>) dst(%arg11 : memref<96xi32, #tpu.memory_space<vmem>>)
    %dma_start3A_62 = arith.constant 0 : i32
    %dma_start3A_63 = arith.constant 0 : i32
    %dma_start3A_64 = tpu.memref_slice %arg8[%dma_start3A_62, %dma_start3A_63] : memref<10112x128xf32, #tpu.memory_space<vmem_shared>> -> memref<10112x128xf32, #tpu.memory_space<vmem_shared>>
    tpu.enqueue_indirect_dma source(%arg14 : memref<96x128xf32, #tpu.memory_space<vmem>>) target(%dma_start3A_64 : memref<10112x128xf32, #tpu.memory_space<vmem_shared>>) offsets(%arg11 : memref<96xi32, #tpu.memory_space<vmem>>) semaphore(%arg23 : memref<!tpu.dma_semaphore, #tpu.memory_space<semaphore_mem>>) {add = true}
    %dma_wait3A_65 = arith.constant 0 : i32
    %dma_wait3A_66 = tpu.memref_slice %arg9[%dma_wait3A_65] : memref<10080xi32, #tpu.memory_space<vmem>> -> memref<96xi32, #tpu.memory_space<vmem>>
    %dma_wait3A_67 = arith.constant 0 : i32
    %dma_wait3A_68 = arith.constant 0 : i32
    %dma_wait3A_69 = tpu.memref_slice %arg2[%dma_wait3A_67, %dma_wait3A_68] : memref<10000x128xf32, #tpu.memory_space<hbm>> -> memref<10000x128xf32, #tpu.memory_space<hbm>>
    tpu.wait_indirect_dma semaphore(%arg18 : memref<!tpu.dma_semaphore, #tpu.memory_space<semaphore_mem>>) src(%dma_wait3A_69 : memref<10000x128xf32, #tpu.memory_space<hbm>>) dst(%arg15 : memref<96x128xf32, #tpu.memory_space<vmem>>)
    %dma_wait3A_70 = tpu.memref_slice %arg4[%mul3A_8] : memref<322560xi32, #tpu.memory_space<hbm>> -> memref<96xi32, #tpu.memory_space<hbm>>
    %dma_wait3A_71 = tpu.memref_slice %arg4[%mul3A_8] : memref<322560xi32, #tpu.memory_space<hbm>> -> memref<96xi32, #tpu.memory_space<hbm>>
    tpu.wait_dma2 semaphore(%arg21 : memref<!tpu.dma_semaphore, #tpu.memory_space<semaphore_mem>>) src(%dma_wait3A_71 : memref<96xi32, #tpu.memory_space<hbm>>) dst(%arg12 : memref<96xi32, #tpu.memory_space<vmem>>)
    %dma_start3A_72 = arith.constant 0 : i32
    %dma_start3A_73 = arith.constant 0 : i32
    %dma_start3A_74 = tpu.memref_slice %arg8[%dma_start3A_72, %dma_start3A_73] : memref<10112x128xf32, #tpu.memory_space<vmem_shared>> -> memref<10112x128xf32, #tpu.memory_space<vmem_shared>>
    tpu.enqueue_indirect_dma source(%arg15 : memref<96x128xf32, #tpu.memory_space<vmem>>) target(%dma_start3A_74 : memref<10112x128xf32, #tpu.memory_space<vmem_shared>>) offsets(%arg12 : memref<96xi32, #tpu.memory_space<vmem>>) semaphore(%arg24 : memref<!tpu.dma_semaphore, #tpu.memory_space<semaphore_mem>>) {add = true}
    %dma_wait3A_75 = arith.constant 0 : i32
    %dma_wait3A_76 = arith.constant 0 : i32
    %dma_wait3A_77 = tpu.memref_slice %arg8[%dma_wait3A_75, %dma_wait3A_76] : memref<10112x128xf32, #tpu.memory_space<vmem_shared>> -> memref<10112x128xf32, #tpu.memory_space<vmem_shared>>
    tpu.wait_indirect_dma semaphore(%arg22 : memref<!tpu.dma_semaphore, #tpu.memory_space<semaphore_mem>>) src(%arg13 : memref<96x128xf32, #tpu.memory_space<vmem>>) dst(%dma_wait3A_77 : memref<10112x128xf32, #tpu.memory_space<vmem_shared>>)
    %dma_wait3A_78 = arith.constant 0 : i32
    %dma_wait3A_79 = arith.constant 0 : i32
    %dma_wait3A_80 = tpu.memref_slice %arg8[%dma_wait3A_78, %dma_wait3A_79] : memref<10112x128xf32, #tpu.memory_space<vmem_shared>> -> memref<10112x128xf32, #tpu.memory_space<vmem_shared>>
    tpu.wait_indirect_dma semaphore(%arg23 : memref<!tpu.dma_semaphore, #tpu.memory_space<semaphore_mem>>) src(%arg14 : memref<96x128xf32, #tpu.memory_space<vmem>>) dst(%dma_wait3A_80 : memref<10112x128xf32, #tpu.memory_space<vmem_shared>>)
    %dma_wait3A_81 = arith.constant 0 : i32
    %dma_wait3A_82 = arith.constant 0 : i32
    %dma_wait3A_83 = tpu.memref_slice %arg8[%dma_wait3A_81, %dma_wait3A_82] : memref<10112x128xf32, #tpu.memory_space<vmem_shared>> -> memref<10112x128xf32, #tpu.memory_space<vmem_shared>>
    tpu.wait_indirect_dma semaphore(%arg24 : memref<!tpu.dma_semaphore, #tpu.memory_space<semaphore_mem>>) src(%arg15 : memref<96x128xf32, #tpu.memory_space<vmem>>) dst(%dma_wait3A_83 : memref<10112x128xf32, #tpu.memory_space<vmem_shared>>)
    %barrier3A_84 = arith.constant 0 : index
    tpu.barrier barrier_id(%barrier3A_84)
    %eq3A = arith.constant 0 : i32
    %eq3A_85 = arith.cmpi eq, %arg0, %eq3A : i32
    %convert_element_type3A = arith.extui %eq3A_85 : i1 to i32
    %cond3A = arith.constant 0 : i32
    %cond3A_86 = arith.cmpi ne, %convert_element_type3A, %cond3A : i32
    scf.if %cond3A_86 {
      %mul3A_92 = arith.constant 632 : i32
      %mul3A_93 = arith.muli %arg1, %mul3A_92 : i32
      %mul3A_94 = arith.constant 632 : i32
      %mul3A_95 = arith.muli %arg1, %mul3A_94 : i32
      "tpu.region"() ({
        %run_scoped3A = tpu.sem_alloc : memref<!tpu.dma_semaphore, #tpu.memory_space<semaphore_mem>>
        %dma_start3A_96 = arith.constant 0 : i32
        %dma_start3A_97 = tpu.memref_slice %arg6[%mul3A_95, %dma_start3A_96] : memref<10112x128xf32, #tpu.memory_space<hbm>> -> memref<632x128xf32, #tpu.memory_space<hbm>>
        %dma_start3A_98 = arith.constant 0 : i32
        %dma_start3A_99 = tpu.memref_slice %arg8[%mul3A_93, %dma_start3A_98] : memref<10112x128xf32, #tpu.memory_space<vmem_shared>> -> memref<632x128xf32, #tpu.memory_space<vmem_shared>>
        tpu.enqueue_dma source(%dma_start3A_99 : memref<632x128xf32, #tpu.memory_space<vmem_shared>>) target(%dma_start3A_97 : memref<632x128xf32, #tpu.memory_space<hbm>>) target_semaphore(%run_scoped3A : memref<!tpu.dma_semaphore, #tpu.memory_space<semaphore_mem>>)
        %dma_wait3A_100 = arith.constant 0 : i32
        %dma_wait3A_101 = tpu.memref_slice %arg6[%mul3A_95, %dma_wait3A_100] : memref<10112x128xf32, #tpu.memory_space<hbm>> -> memref<632x128xf32, #tpu.memory_space<hbm>>
        %dma_wait3A_102 = arith.constant 0 : i32
        %dma_wait3A_103 = tpu.memref_slice %arg8[%mul3A_93, %dma_wait3A_102] : memref<10112x128xf32, #tpu.memory_space<vmem_shared>> -> memref<632x128xf32, #tpu.memory_space<vmem_shared>>
        tpu.wait_dma2 semaphore(%run_scoped3A : memref<!tpu.dma_semaphore, #tpu.memory_space<semaphore_mem>>) src(%dma_wait3A_103 : memref<632x128xf32, #tpu.memory_space<vmem_shared>>) dst(%dma_wait3A_101 : memref<632x128xf32, #tpu.memory_space<hbm>>)
        tpu.yield
      }) : () -> ()
    } else {
    }
    %eq3A_87 = arith.constant 1 : i32
    %eq3A_88 = arith.cmpi eq, %arg0, %eq3A_87 : i32
    %convert_element_type3A_89 = arith.extui %eq3A_88 : i1 to i32
    %cond3A_90 = arith.constant 0 : i32
    %cond3A_91 = arith.cmpi ne, %convert_element_type3A_89, %cond3A_90 : i32
    scf.if %cond3A_91 {
      %mul3A_92 = arith.constant 632 : i32
      %mul3A_93 = arith.muli %arg1, %mul3A_92 : i32
      %mul3A_94 = arith.constant 632 : i32
      %mul3A_95 = arith.muli %arg1, %mul3A_94 : i32
      "tpu.region"() ({
        %run_scoped3A = tpu.sem_alloc : memref<!tpu.dma_semaphore, #tpu.memory_space<semaphore_mem>>
        %dma_start3A_96 = arith.constant 0 : i32
        %dma_start3A_97 = tpu.memref_slice %arg7[%mul3A_95, %dma_start3A_96] : memref<10112x128xf32, #tpu.memory_space<hbm>> -> memref<632x128xf32, #tpu.memory_space<hbm>>
        %dma_start3A_98 = arith.constant 0 : i32
        %dma_start3A_99 = tpu.memref_slice %arg8[%mul3A_93, %dma_start3A_98] : memref<10112x128xf32, #tpu.memory_space<vmem_shared>> -> memref<632x128xf32, #tpu.memory_space<vmem_shared>>
        tpu.enqueue_dma source(%dma_start3A_99 : memref<632x128xf32, #tpu.memory_space<vmem_shared>>) target(%dma_start3A_97 : memref<632x128xf32, #tpu.memory_space<hbm>>) target_semaphore(%run_scoped3A : memref<!tpu.dma_semaphore, #tpu.memory_space<semaphore_mem>>)
        %dma_wait3A_100 = arith.constant 0 : i32
        %dma_wait3A_101 = tpu.memref_slice %arg7[%mul3A_95, %dma_wait3A_100] : memref<10112x128xf32, #tpu.memory_space<hbm>> -> memref<632x128xf32, #tpu.memory_space<hbm>>
        %dma_wait3A_102 = arith.constant 0 : i32
        %dma_wait3A_103 = tpu.memref_slice %arg8[%mul3A_93, %dma_wait3A_102] : memref<10112x128xf32, #tpu.memory_space<vmem_shared>> -> memref<632x128xf32, #tpu.memory_space<vmem_shared>>
        tpu.wait_dma2 semaphore(%run_scoped3A : memref<!tpu.dma_semaphore, #tpu.memory_space<semaphore_mem>>) src(%dma_wait3A_103 : memref<632x128xf32, #tpu.memory_space<vmem_shared>>) dst(%dma_wait3A_101 : memref<632x128xf32, #tpu.memory_space<hbm>>)
        tpu.yield
      }) : () -> ()
    } else {
    }
    return
  }
}

#map = affine_map<(d0, d1) -> (0, 0)>
#map1 = affine_map<(d0, d1) -> (0)>
module attributes {stable_mosaic.version = 14 : i64} {
  func.func @_agg_body(%arg0: i32, %arg1: i32, %arg2: memref<10000x128xf32, #tpu.memory_space<hbm>>, %arg3: memref<322560xi32, #tpu.memory_space<hbm>>, %arg4: memref<322560xi32, #tpu.memory_space<hbm>>, %arg5: memref<10112x128xf32, #tpu.memory_space<hbm>>, %arg6: memref<10112x128xf32, #tpu.memory_space<hbm>>, %arg7: memref<10112x128xf32, #tpu.memory_space<hbm>>, %arg8: memref<10112x128xf32, #tpu.memory_space<vmem_shared>>, %arg9: memref<10080xi32, #tpu.memory_space<vmem>>, %arg10: memref<96xi32, #tpu.memory_space<vmem>>, %arg11: memref<96xi32, #tpu.memory_space<vmem>>, %arg12: memref<96xi32, #tpu.memory_space<vmem>>, %arg13: memref<96x128xf32, #tpu.memory_space<vmem>>, %arg14: memref<96x128xf32, #tpu.memory_space<vmem>>, %arg15: memref<96x128xf32, #tpu.memory_space<vmem>>, %arg16: memref<!tpu.dma_semaphore, #tpu.memory_space<semaphore_mem>>, %arg17: memref<!tpu.dma_semaphore, #tpu.memory_space<semaphore_mem>>, %arg18: memref<!tpu.dma_semaphore, #tpu.memory_space<semaphore_mem>>, %arg19: memref<!tpu.dma_semaphore, #tpu.memory_space<semaphore_mem>>, %arg20: memref<!tpu.dma_semaphore, #tpu.memory_space<semaphore_mem>>, %arg21: memref<!tpu.dma_semaphore, #tpu.memory_space<semaphore_mem>>, %arg22: memref<!tpu.dma_semaphore, #tpu.memory_space<semaphore_mem>>, %arg23: memref<!tpu.dma_semaphore, #tpu.memory_space<semaphore_mem>>, %arg24: memref<!tpu.dma_semaphore, #tpu.memory_space<semaphore_mem>>, %arg25: memref<!tpu.dma_semaphore, #tpu.memory_space<semaphore_mem>>) attributes {dimension_semantics = [#tpu.dimension_semantics<core_parallel>, #tpu.dimension_semantics<subcore_parallel>], iteration_bounds = array<i64: 2, 16>, scalar_prefetch = 0 : i64, scratch_operands = 18 : i64, tpu.core_type = #tpu.core_type<sc_vector_subcore>, window_params = [{transform_indices = #map}, {transform_indices = #map1}, {transform_indices = #map1}, {transform_indices = #map}, {transform_indices = #map}, {transform_indices = #map}]} {
    %mul3A = arith.constant 2 : i32
    %mul3A_0 = arith.muli %arg1, %mul3A : i32
    %add3A = arith.addi %mul3A_0, %arg0 : i32
    %mul3A_1 = arith.constant 10080 : i32
    %mul3A_2 = arith.muli %add3A, %mul3A_1 : i32
    %dma_start3A = tpu.memref_slice %arg3[%mul3A_2] : memref<322560xi32, #tpu.memory_space<hbm>> -> memref<10080xi32, #tpu.memory_space<hbm>>
    %dma_start3A_3 = tpu.memref_slice %arg3[%mul3A_2] : memref<322560xi32, #tpu.memory_space<hbm>> -> memref<10080xi32, #tpu.memory_space<hbm>>
    tpu.enqueue_dma source(%dma_start3A_3 : memref<10080xi32, #tpu.memory_space<hbm>>) target(%arg9 : memref<10080xi32, #tpu.memory_space<vmem>>) target_semaphore(%arg25 : memref<!tpu.dma_semaphore, #tpu.memory_space<semaphore_mem>>)
    %mul3A_4 = arith.constant 10080 : i32
    %mul3A_5 = arith.muli %add3A, %mul3A_4 : i32
    %dma_wait3A = tpu.memref_slice %arg3[%mul3A_5] : memref<322560xi32, #tpu.memory_space<hbm>> -> memref<10080xi32, #tpu.memory_space<hbm>>
    %dma_wait3A_6 = tpu.memref_slice %arg3[%mul3A_5] : memref<322560xi32, #tpu.memory_space<hbm>> -> memref<10080xi32, #tpu.memory_space<hbm>>
    tpu.wait_dma2 semaphore(%arg25 : memref<!tpu.dma_semaphore, #tpu.memory_space<semaphore_mem>>) src(%dma_wait3A_6 : memref<10080xi32, #tpu.memory_space<hbm>>) dst(%arg9 : memref<10080xi32, #tpu.memory_space<vmem>>)
    %mul3A_7 = arith.constant 10080 : i32
    %mul3A_8 = arith.muli %add3A, %mul3A_7 : i32
    %add3A_9 = arith.constant 0 : i32
    %add3A_10 = arith.addi %mul3A_8, %add3A_9 : i32
    %dma_start3A_11 = tpu.memref_slice %arg4[%add3A_10] : memref<322560xi32, #tpu.memory_space<hbm>> -> memref<96xi32, #tpu.memory_space<hbm>>
    %dma_start3A_12 = tpu.memref_slice %arg4[%add3A_10] : memref<322560xi32, #tpu.memory_space<hbm>> -> memref<96xi32, #tpu.memory_space<hbm>>
    tpu.enqueue_dma source(%dma_start3A_12 : memref<96xi32, #tpu.memory_space<hbm>>) target(%arg10 : memref<96xi32, #tpu.memory_space<vmem>>) target_semaphore(%arg19 : memref<!tpu.dma_semaphore, #tpu.memory_space<semaphore_mem>>)
    %dma_start3A_13 = arith.constant 0 : i32
    %dma_start3A_14 = tpu.memref_slice %arg9[%dma_start3A_13] : memref<10080xi32, #tpu.memory_space<vmem>> -> memref<96xi32, #tpu.memory_space<vmem>>
    %dma_start3A_15 = arith.constant 0 : i32
    %dma_start3A_16 = arith.constant 0 : i32
    %dma_start3A_17 = tpu.memref_slice %arg2[%dma_start3A_15, %dma_start3A_16] : memref<10000x128xf32, #tpu.memory_space<hbm>> -> memref<10000x128xf32, #tpu.memory_space<hbm>>
    tpu.enqueue_indirect_dma source(%dma_start3A_17 : memref<10000x128xf32, #tpu.memory_space<hbm>>) target(%arg13 : memref<96x128xf32, #tpu.memory_space<vmem>>) offsets(%dma_start3A_14 : memref<96xi32, #tpu.memory_space<vmem>>) semaphore(%arg16 : memref<!tpu.dma_semaphore, #tpu.memory_space<semaphore_mem>>)
    %add3A_18 = arith.constant 96 : i32
    %add3A_19 = arith.addi %mul3A_8, %add3A_18 : i32
    %dma_start3A_20 = tpu.memref_slice %arg4[%add3A_19] : memref<322560xi32, #tpu.memory_space<hbm>> -> memref<96xi32, #tpu.memory_space<hbm>>
    %dma_start3A_21 = tpu.memref_slice %arg4[%add3A_19] : memref<322560xi32, #tpu.memory_space<hbm>> -> memref<96xi32, #tpu.memory_space<hbm>>
    tpu.enqueue_dma source(%dma_start3A_21 : memref<96xi32, #tpu.memory_space<hbm>>) target(%arg11 : memref<96xi32, #tpu.memory_space<vmem>>) target_semaphore(%arg20 : memref<!tpu.dma_semaphore, #tpu.memory_space<semaphore_mem>>)
    %dma_start3A_22 = arith.constant 96 : i32
    %dma_start3A_23 = tpu.memref_slice %arg9[%dma_start3A_22] : memref<10080xi32, #tpu.memory_space<vmem>> -> memref<96xi32, #tpu.memory_space<vmem>>
    %dma_start3A_24 = arith.constant 0 : i32
    %dma_start3A_25 = arith.constant 0 : i32
    %dma_start3A_26 = tpu.memref_slice %arg2[%dma_start3A_24, %dma_start3A_25] : memref<10000x128xf32, #tpu.memory_space<hbm>> -> memref<10000x128xf32, #tpu.memory_space<hbm>>
    tpu.enqueue_indirect_dma source(%dma_start3A_26 : memref<10000x128xf32, #tpu.memory_space<hbm>>) target(%arg14 : memref<96x128xf32, #tpu.memory_space<vmem>>) offsets(%dma_start3A_23 : memref<96xi32, #tpu.memory_space<vmem>>) semaphore(%arg17 : memref<!tpu.dma_semaphore, #tpu.memory_space<semaphore_mem>>)
    %add3A_27 = arith.constant 192 : i32
    %add3A_28 = arith.addi %mul3A_8, %add3A_27 : i32
    %dma_start3A_29 = tpu.memref_slice %arg4[%add3A_28] : memref<322560xi32, #tpu.memory_space<hbm>> -> memref<96xi32, #tpu.memory_space<hbm>>
    %dma_start3A_30 = tpu.memref_slice %arg4[%add3A_28] : memref<322560xi32, #tpu.memory_space<hbm>> -> memref<96xi32, #tpu.memory_space<hbm>>
    tpu.enqueue_dma source(%dma_start3A_30 : memref<96xi32, #tpu.memory_space<hbm>>) target(%arg12 : memref<96xi32, #tpu.memory_space<vmem>>) target_semaphore(%arg21 : memref<!tpu.dma_semaphore, #tpu.memory_space<semaphore_mem>>)
    %dma_start3A_31 = arith.constant 192 : i32
    %dma_start3A_32 = tpu.memref_slice %arg9[%dma_start3A_31] : memref<10080xi32, #tpu.memory_space<vmem>> -> memref<96xi32, #tpu.memory_space<vmem>>
    %dma_start3A_33 = arith.constant 0 : i32
    %dma_start3A_34 = arith.constant 0 : i32
    %dma_start3A_35 = tpu.memref_slice %arg2[%dma_start3A_33, %dma_start3A_34] : memref<10000x128xf32, #tpu.memory_space<hbm>> -> memref<10000x128xf32, #tpu.memory_space<hbm>>
    tpu.enqueue_indirect_dma source(%dma_start3A_35 : memref<10000x128xf32, #tpu.memory_space<hbm>>) target(%arg15 : memref<96x128xf32, #tpu.memory_space<vmem>>) offsets(%dma_start3A_32 : memref<96xi32, #tpu.memory_space<vmem>>) semaphore(%arg18 : memref<!tpu.dma_semaphore, #tpu.memory_space<semaphore_mem>>)
    %mul3A_36 = arith.constant 632 : i32
    %mul3A_37 = arith.muli %arg1, %mul3A_36 : i32
    %mul3A_38 = arith.constant 632 : i32
    %mul3A_39 = arith.muli %arg1, %mul3A_38 : i32
    "tpu.region"() ({
      %run_scoped3A = tpu.sem_alloc : memref<!tpu.dma_semaphore, #tpu.memory_space<semaphore_mem>>
      %dma_start3A_92 = arith.constant 0 : i32
      %dma_start3A_93 = tpu.memref_slice %arg8[%mul3A_39, %dma_start3A_92] : memref<10112x128xf32, #tpu.memory_space<vmem_shared>> -> memref<632x128xf32, #tpu.memory_space<vmem_shared>>
      %dma_start3A_94 = arith.constant 0 : i32
      %dma_start3A_95 = tpu.memref_slice %arg5[%mul3A_37, %dma_start3A_94] : memref<10112x128xf32, #tpu.memory_space<hbm>> -> memref<632x128xf32, #tpu.memory_space<hbm>>
      tpu.enqueue_dma source(%dma_start3A_95 : memref<632x128xf32, #tpu.memory_space<hbm>>) target(%dma_start3A_93 : memref<632x128xf32, #tpu.memory_space<vmem_shared>>) target_semaphore(%run_scoped3A : memref<!tpu.dma_semaphore, #tpu.memory_space<semaphore_mem>>)
      %dma_wait3A_96 = arith.constant 0 : i32
      %dma_wait3A_97 = tpu.memref_slice %arg8[%mul3A_39, %dma_wait3A_96] : memref<10112x128xf32, #tpu.memory_space<vmem_shared>> -> memref<632x128xf32, #tpu.memory_space<vmem_shared>>
      %dma_wait3A_98 = arith.constant 0 : i32
      %dma_wait3A_99 = tpu.memref_slice %arg5[%mul3A_37, %dma_wait3A_98] : memref<10112x128xf32, #tpu.memory_space<hbm>> -> memref<632x128xf32, #tpu.memory_space<hbm>>
      tpu.wait_dma2 semaphore(%run_scoped3A : memref<!tpu.dma_semaphore, #tpu.memory_space<semaphore_mem>>) src(%dma_wait3A_99 : memref<632x128xf32, #tpu.memory_space<hbm>>) dst(%dma_wait3A_97 : memref<632x128xf32, #tpu.memory_space<vmem_shared>>)
      tpu.yield
    }) : () -> ()
    %barrier3A = arith.constant 0 : index
    tpu.barrier barrier_id(%barrier3A)
    %dma_wait3A_40 = arith.constant 0 : i32
    %dma_wait3A_41 = tpu.memref_slice %arg9[%dma_wait3A_40] : memref<10080xi32, #tpu.memory_space<vmem>> -> memref<96xi32, #tpu.memory_space<vmem>>
    %dma_wait3A_42 = arith.constant 0 : i32
    %dma_wait3A_43 = arith.constant 0 : i32
    %dma_wait3A_44 = tpu.memref_slice %arg2[%dma_wait3A_42, %dma_wait3A_43] : memref<10000x128xf32, #tpu.memory_space<hbm>> -> memref<10000x128xf32, #tpu.memory_space<hbm>>
    tpu.wait_indirect_dma semaphore(%arg16 : memref<!tpu.dma_semaphore, #tpu.memory_space<semaphore_mem>>) src(%dma_wait3A_44 : memref<10000x128xf32, #tpu.memory_space<hbm>>) dst(%arg13 : memref<96x128xf32, #tpu.memory_space<vmem>>)
    %dma_wait3A_45 = tpu.memref_slice %arg4[%mul3A_8] : memref<322560xi32, #tpu.memory_space<hbm>> -> memref<96xi32, #tpu.memory_space<hbm>>
    %dma_wait3A_46 = tpu.memref_slice %arg4[%mul3A_8] : memref<322560xi32, #tpu.memory_space<hbm>> -> memref<96xi32, #tpu.memory_space<hbm>>
    tpu.wait_dma2 semaphore(%arg19 : memref<!tpu.dma_semaphore, #tpu.memory_space<semaphore_mem>>) src(%dma_wait3A_46 : memref<96xi32, #tpu.memory_space<hbm>>) dst(%arg10 : memref<96xi32, #tpu.memory_space<vmem>>)
    %dma_start3A_47 = arith.constant 0 : i32
    %dma_start3A_48 = arith.constant 0 : i32
    %dma_start3A_49 = tpu.memref_slice %arg8[%dma_start3A_47, %dma_start3A_48] : memref<10112x128xf32, #tpu.memory_space<vmem_shared>> -> memref<10112x128xf32, #tpu.memory_space<vmem_shared>>
    tpu.enqueue_indirect_dma source(%arg13 : memref<96x128xf32, #tpu.memory_space<vmem>>) target(%dma_start3A_49 : memref<10112x128xf32, #tpu.memory_space<vmem_shared>>) offsets(%arg10 : memref<96xi32, #tpu.memory_space<vmem>>) semaphore(%arg22 : memref<!tpu.dma_semaphore, #tpu.memory_space<semaphore_mem>>) {add = true}
    %scan3A = arith.constant 0 : i32
    %scan3A_50 = arith.constant 0 : i32
    %scan3A_51 = arith.constant 34 : i32
    %scan3A_52 = arith.addi %scan3A_50, %scan3A_51 : i32
    %scan3A_53 = arith.constant 1 : i32
    scf.for %scan3A_92 = %scan3A_50 to %scan3A_52 step %scan3A_53  : i32 {
      %mul3A_93 = arith.constant 3 : i32
      %mul3A_94 = arith.muli %mul3A_93, %scan3A_92 : i32
      %add3A_95 = arith.constant 1 : i32
      %add3A_96 = arith.addi %mul3A_94, %add3A_95 : i32
      %dma_wait3A_97 = arith.constant 0 : i32
      %dma_wait3A_98 = tpu.memref_slice %arg9[%dma_wait3A_97] : memref<10080xi32, #tpu.memory_space<vmem>> -> memref<96xi32, #tpu.memory_space<vmem>>
      %dma_wait3A_99 = arith.constant 0 : i32
      %dma_wait3A_100 = arith.constant 0 : i32
      %dma_wait3A_101 = tpu.memref_slice %arg2[%dma_wait3A_99, %dma_wait3A_100] : memref<10000x128xf32, #tpu.memory_space<hbm>> -> memref<10000x128xf32, #tpu.memory_space<hbm>>
      tpu.wait_indirect_dma semaphore(%arg17 : memref<!tpu.dma_semaphore, #tpu.memory_space<semaphore_mem>>) src(%dma_wait3A_101 : memref<10000x128xf32, #tpu.memory_space<hbm>>) dst(%arg14 : memref<96x128xf32, #tpu.memory_space<vmem>>)
      %dma_wait3A_102 = tpu.memref_slice %arg4[%mul3A_8] : memref<322560xi32, #tpu.memory_space<hbm>> -> memref<96xi32, #tpu.memory_space<hbm>>
      %dma_wait3A_103 = tpu.memref_slice %arg4[%mul3A_8] : memref<322560xi32, #tpu.memory_space<hbm>> -> memref<96xi32, #tpu.memory_space<hbm>>
      tpu.wait_dma2 semaphore(%arg20 : memref<!tpu.dma_semaphore, #tpu.memory_space<semaphore_mem>>) src(%dma_wait3A_103 : memref<96xi32, #tpu.memory_space<hbm>>) dst(%arg11 : memref<96xi32, #tpu.memory_space<vmem>>)
      %dma_start3A_104 = arith.constant 0 : i32
      %dma_start3A_105 = arith.constant 0 : i32
      %dma_start3A_106 = tpu.memref_slice %arg8[%dma_start3A_104, %dma_start3A_105] : memref<10112x128xf32, #tpu.memory_space<vmem_shared>> -> memref<10112x128xf32, #tpu.memory_space<vmem_shared>>
      tpu.enqueue_indirect_dma source(%arg14 : memref<96x128xf32, #tpu.memory_space<vmem>>) target(%dma_start3A_106 : memref<10112x128xf32, #tpu.memory_space<vmem_shared>>) offsets(%arg11 : memref<96xi32, #tpu.memory_space<vmem>>) semaphore(%arg23 : memref<!tpu.dma_semaphore, #tpu.memory_space<semaphore_mem>>) {add = true}
      %dma_wait3A_107 = arith.constant 0 : i32
      %dma_wait3A_108 = arith.constant 0 : i32
      %dma_wait3A_109 = tpu.memref_slice %arg8[%dma_wait3A_107, %dma_wait3A_108] : memref<10112x128xf32, #tpu.memory_space<vmem_shared>> -> memref<10112x128xf32, #tpu.memory_space<vmem_shared>>
      tpu.wait_indirect_dma semaphore(%arg22 : memref<!tpu.dma_semaphore, #tpu.memory_space<semaphore_mem>>) src(%arg13 : memref<96x128xf32, #tpu.memory_space<vmem>>) dst(%dma_wait3A_109 : memref<10112x128xf32, #tpu.memory_space<vmem_shared>>)
      %add3A_110 = arith.constant 2 : i32
      %add3A_111 = arith.addi %add3A_96, %add3A_110 : i32
      %mul3A_112 = arith.constant 96 : i32
      %mul3A_113 = arith.muli %add3A_111, %mul3A_112 : i32
      %add3A_114 = arith.addi %mul3A_8, %mul3A_113 : i32
      %dma_start3A_115 = tpu.memref_slice %arg4[%add3A_114] : memref<322560xi32, #tpu.memory_space<hbm>> -> memref<96xi32, #tpu.memory_space<hbm>>
      %dma_start3A_116 = tpu.memref_slice %arg4[%add3A_114] : memref<322560xi32, #tpu.memory_space<hbm>> -> memref<96xi32, #tpu.memory_space<hbm>>
      tpu.enqueue_dma source(%dma_start3A_116 : memref<96xi32, #tpu.memory_space<hbm>>) target(%arg10 : memref<96xi32, #tpu.memory_space<vmem>>) target_semaphore(%arg19 : memref<!tpu.dma_semaphore, #tpu.memory_space<semaphore_mem>>)
      %add3A_117 = arith.constant 2 : i32
      %add3A_118 = arith.addi %add3A_96, %add3A_117 : i32
      %mul3A_119 = arith.constant 96 : i32
      %mul3A_120 = arith.muli %add3A_118, %mul3A_119 : i32
      %dma_start3A_121 = tpu.memref_slice %arg9[%mul3A_120] : memref<10080xi32, #tpu.memory_space<vmem>> -> memref<96xi32, #tpu.memory_space<vmem>>
      %dma_start3A_122 = arith.constant 0 : i32
      %dma_start3A_123 = arith.constant 0 : i32
      %dma_start3A_124 = tpu.memref_slice %arg2[%dma_start3A_122, %dma_start3A_123] : memref<10000x128xf32, #tpu.memory_space<hbm>> -> memref<10000x128xf32, #tpu.memory_space<hbm>>
      tpu.enqueue_indirect_dma source(%dma_start3A_124 : memref<10000x128xf32, #tpu.memory_space<hbm>>) target(%arg13 : memref<96x128xf32, #tpu.memory_space<vmem>>) offsets(%dma_start3A_121 : memref<96xi32, #tpu.memory_space<vmem>>) semaphore(%arg16 : memref<!tpu.dma_semaphore, #tpu.memory_space<semaphore_mem>>)
      %add3A_125 = arith.constant 1 : i32
      %add3A_126 = arith.addi %add3A_96, %add3A_125 : i32
      %dma_wait3A_127 = arith.constant 0 : i32
      %dma_wait3A_128 = tpu.memref_slice %arg9[%dma_wait3A_127] : memref<10080xi32, #tpu.memory_space<vmem>> -> memref<96xi32, #tpu.memory_space<vmem>>
      %dma_wait3A_129 = arith.constant 0 : i32
      %dma_wait3A_130 = arith.constant 0 : i32
      %dma_wait3A_131 = tpu.memref_slice %arg2[%dma_wait3A_129, %dma_wait3A_130] : memref<10000x128xf32, #tpu.memory_space<hbm>> -> memref<10000x128xf32, #tpu.memory_space<hbm>>
      tpu.wait_indirect_dma semaphore(%arg18 : memref<!tpu.dma_semaphore, #tpu.memory_space<semaphore_mem>>) src(%dma_wait3A_131 : memref<10000x128xf32, #tpu.memory_space<hbm>>) dst(%arg15 : memref<96x128xf32, #tpu.memory_space<vmem>>)
      %dma_wait3A_132 = tpu.memref_slice %arg4[%mul3A_8] : memref<322560xi32, #tpu.memory_space<hbm>> -> memref<96xi32, #tpu.memory_space<hbm>>
      %dma_wait3A_133 = tpu.memref_slice %arg4[%mul3A_8] : memref<322560xi32, #tpu.memory_space<hbm>> -> memref<96xi32, #tpu.memory_space<hbm>>
      tpu.wait_dma2 semaphore(%arg21 : memref<!tpu.dma_semaphore, #tpu.memory_space<semaphore_mem>>) src(%dma_wait3A_133 : memref<96xi32, #tpu.memory_space<hbm>>) dst(%arg12 : memref<96xi32, #tpu.memory_space<vmem>>)
      %dma_start3A_134 = arith.constant 0 : i32
      %dma_start3A_135 = arith.constant 0 : i32
      %dma_start3A_136 = tpu.memref_slice %arg8[%dma_start3A_134, %dma_start3A_135] : memref<10112x128xf32, #tpu.memory_space<vmem_shared>> -> memref<10112x128xf32, #tpu.memory_space<vmem_shared>>
      tpu.enqueue_indirect_dma source(%arg15 : memref<96x128xf32, #tpu.memory_space<vmem>>) target(%dma_start3A_136 : memref<10112x128xf32, #tpu.memory_space<vmem_shared>>) offsets(%arg12 : memref<96xi32, #tpu.memory_space<vmem>>) semaphore(%arg24 : memref<!tpu.dma_semaphore, #tpu.memory_space<semaphore_mem>>) {add = true}
      %dma_wait3A_137 = arith.constant 0 : i32
      %dma_wait3A_138 = arith.constant 0 : i32
      %dma_wait3A_139 = tpu.memref_slice %arg8[%dma_wait3A_137, %dma_wait3A_138] : memref<10112x128xf32, #tpu.memory_space<vmem_shared>> -> memref<10112x128xf32, #tpu.memory_space<vmem_shared>>
      tpu.wait_indirect_dma semaphore(%arg23 : memref<!tpu.dma_semaphore, #tpu.memory_space<semaphore_mem>>) src(%arg14 : memref<96x128xf32, #tpu.memory_space<vmem>>) dst(%dma_wait3A_139 : memref<10112x128xf32, #tpu.memory_space<vmem_shared>>)
      %add3A_140 = arith.constant 2 : i32
      %add3A_141 = arith.addi %add3A_126, %add3A_140 : i32
      %mul3A_142 = arith.constant 96 : i32
      %mul3A_143 = arith.muli %add3A_141, %mul3A_142 : i32
      %add3A_144 = arith.addi %mul3A_8, %mul3A_143 : i32
      %dma_start3A_145 = tpu.memref_slice %arg4[%add3A_144] : memref<322560xi32, #tpu.memory_space<hbm>> -> memref<96xi32, #tpu.memory_space<hbm>>
      %dma_start3A_146 = tpu.memref_slice %arg4[%add3A_144] : memref<322560xi32, #tpu.memory_space<hbm>> -> memref<96xi32, #tpu.memory_space<hbm>>
      tpu.enqueue_dma source(%dma_start3A_146 : memref<96xi32, #tpu.memory_space<hbm>>) target(%arg11 : memref<96xi32, #tpu.memory_space<vmem>>) target_semaphore(%arg20 : memref<!tpu.dma_semaphore, #tpu.memory_space<semaphore_mem>>)
      %add3A_147 = arith.constant 2 : i32
      %add3A_148 = arith.addi %add3A_126, %add3A_147 : i32
      %mul3A_149 = arith.constant 96 : i32
      %mul3A_150 = arith.muli %add3A_148, %mul3A_149 : i32
      %dma_start3A_151 = tpu.memref_slice %arg9[%mul3A_150] : memref<10080xi32, #tpu.memory_space<vmem>> -> memref<96xi32, #tpu.memory_space<vmem>>
      %dma_start3A_152 = arith.constant 0 : i32
      %dma_start3A_153 = arith.constant 0 : i32
      %dma_start3A_154 = tpu.memref_slice %arg2[%dma_start3A_152, %dma_start3A_153] : memref<10000x128xf32, #tpu.memory_space<hbm>> -> memref<10000x128xf32, #tpu.memory_space<hbm>>
      tpu.enqueue_indirect_dma source(%dma_start3A_154 : memref<10000x128xf32, #tpu.memory_space<hbm>>) target(%arg14 : memref<96x128xf32, #tpu.memory_space<vmem>>) offsets(%dma_start3A_151 : memref<96xi32, #tpu.memory_space<vmem>>) semaphore(%arg17 : memref<!tpu.dma_semaphore, #tpu.memory_space<semaphore_mem>>)
      %add3A_155 = arith.constant 2 : i32
      %add3A_156 = arith.addi %add3A_96, %add3A_155 : i32
      %dma_wait3A_157 = arith.constant 0 : i32
      %dma_wait3A_158 = tpu.memref_slice %arg9[%dma_wait3A_157] : memref<10080xi32, #tpu.memory_space<vmem>> -> memref<96xi32, #tpu.memory_space<vmem>>
      %dma_wait3A_159 = arith.constant 0 : i32
      %dma_wait3A_160 = arith.constant 0 : i32
      %dma_wait3A_161 = tpu.memref_slice %arg2[%dma_wait3A_159, %dma_wait3A_160] : memref<10000x128xf32, #tpu.memory_space<hbm>> -> memref<10000x128xf32, #tpu.memory_space<hbm>>
      tpu.wait_indirect_dma semaphore(%arg16 : memref<!tpu.dma_semaphore, #tpu.memory_space<semaphore_mem>>) src(%dma_wait3A_161 : memref<10000x128xf32, #tpu.memory_space<hbm>>) dst(%arg13 : memref<96x128xf32, #tpu.memory_space<vmem>>)
      %dma_wait3A_162 = tpu.memref_slice %arg4[%mul3A_8] : memref<322560xi32, #tpu.memory_space<hbm>> -> memref<96xi32, #tpu.memory_space<hbm>>
      %dma_wait3A_163 = tpu.memref_slice %arg4[%mul3A_8] : memref<322560xi32, #tpu.memory_space<hbm>> -> memref<96xi32, #tpu.memory_space<hbm>>
      tpu.wait_dma2 semaphore(%arg19 : memref<!tpu.dma_semaphore, #tpu.memory_space<semaphore_mem>>) src(%dma_wait3A_163 : memref<96xi32, #tpu.memory_space<hbm>>) dst(%arg10 : memref<96xi32, #tpu.memory_space<vmem>>)
      %dma_start3A_164 = arith.constant 0 : i32
      %dma_start3A_165 = arith.constant 0 : i32
      %dma_start3A_166 = tpu.memref_slice %arg8[%dma_start3A_164, %dma_start3A_165] : memref<10112x128xf32, #tpu.memory_space<vmem_shared>> -> memref<10112x128xf32, #tpu.memory_space<vmem_shared>>
      tpu.enqueue_indirect_dma source(%arg13 : memref<96x128xf32, #tpu.memory_space<vmem>>) target(%dma_start3A_166 : memref<10112x128xf32, #tpu.memory_space<vmem_shared>>) offsets(%arg10 : memref<96xi32, #tpu.memory_space<vmem>>) semaphore(%arg22 : memref<!tpu.dma_semaphore, #tpu.memory_space<semaphore_mem>>) {add = true}
      %dma_wait3A_167 = arith.constant 0 : i32
      %dma_wait3A_168 = arith.constant 0 : i32
      %dma_wait3A_169 = tpu.memref_slice %arg8[%dma_wait3A_167, %dma_wait3A_168] : memref<10112x128xf32, #tpu.memory_space<vmem_shared>> -> memref<10112x128xf32, #tpu.memory_space<vmem_shared>>
      tpu.wait_indirect_dma semaphore(%arg24 : memref<!tpu.dma_semaphore, #tpu.memory_space<semaphore_mem>>) src(%arg15 : memref<96x128xf32, #tpu.memory_space<vmem>>) dst(%dma_wait3A_169 : memref<10112x128xf32, #tpu.memory_space<vmem_shared>>)
      %add3A_170 = arith.constant 2 : i32
      %add3A_171 = arith.addi %add3A_156, %add3A_170 : i32
      %mul3A_172 = arith.constant 96 : i32
      %mul3A_173 = arith.muli %add3A_171, %mul3A_172 : i32
      %add3A_174 = arith.addi %mul3A_8, %mul3A_173 : i32
      %dma_start3A_175 = tpu.memref_slice %arg4[%add3A_174] : memref<322560xi32, #tpu.memory_space<hbm>> -> memref<96xi32, #tpu.memory_space<hbm>>
      %dma_start3A_176 = tpu.memref_slice %arg4[%add3A_174] : memref<322560xi32, #tpu.memory_space<hbm>> -> memref<96xi32, #tpu.memory_space<hbm>>
      tpu.enqueue_dma source(%dma_start3A_176 : memref<96xi32, #tpu.memory_space<hbm>>) target(%arg12 : memref<96xi32, #tpu.memory_space<vmem>>) target_semaphore(%arg21 : memref<!tpu.dma_semaphore, #tpu.memory_space<semaphore_mem>>)
      %add3A_177 = arith.constant 2 : i32
      %add3A_178 = arith.addi %add3A_156, %add3A_177 : i32
      %mul3A_179 = arith.constant 96 : i32
      %mul3A_180 = arith.muli %add3A_178, %mul3A_179 : i32
      %dma_start3A_181 = tpu.memref_slice %arg9[%mul3A_180] : memref<10080xi32, #tpu.memory_space<vmem>> -> memref<96xi32, #tpu.memory_space<vmem>>
      %dma_start3A_182 = arith.constant 0 : i32
      %dma_start3A_183 = arith.constant 0 : i32
      %dma_start3A_184 = tpu.memref_slice %arg2[%dma_start3A_182, %dma_start3A_183] : memref<10000x128xf32, #tpu.memory_space<hbm>> -> memref<10000x128xf32, #tpu.memory_space<hbm>>
      tpu.enqueue_indirect_dma source(%dma_start3A_184 : memref<10000x128xf32, #tpu.memory_space<hbm>>) target(%arg15 : memref<96x128xf32, #tpu.memory_space<vmem>>) offsets(%dma_start3A_181 : memref<96xi32, #tpu.memory_space<vmem>>) semaphore(%arg18 : memref<!tpu.dma_semaphore, #tpu.memory_space<semaphore_mem>>)
    }
    %scan3A_54 = arith.constant 34 : i32
    %dma_wait3A_55 = arith.constant 0 : i32
    %dma_wait3A_56 = tpu.memref_slice %arg9[%dma_wait3A_55] : memref<10080xi32, #tpu.memory_space<vmem>> -> memref<96xi32, #tpu.memory_space<vmem>>
    %dma_wait3A_57 = arith.constant 0 : i32
    %dma_wait3A_58 = arith.constant 0 : i32
    %dma_wait3A_59 = tpu.memref_slice %arg2[%dma_wait3A_57, %dma_wait3A_58] : memref<10000x128xf32, #tpu.memory_space<hbm>> -> memref<10000x128xf32, #tpu.memory_space<hbm>>
    tpu.wait_indirect_dma semaphore(%arg17 : memref<!tpu.dma_semaphore, #tpu.memory_space<semaphore_mem>>) src(%dma_wait3A_59 : memref<10000x128xf32, #tpu.memory_space<hbm>>) dst(%arg14 : memref<96x128xf32, #tpu.memory_space<vmem>>)
    %dma_wait3A_60 = tpu.memref_slice %arg4[%mul3A_8] : memref<322560xi32, #tpu.memory_space<hbm>> -> memref<96xi32, #tpu.memory_space<hbm>>
    %dma_wait3A_61 = tpu.memref_slice %arg4[%mul3A_8] : memref<322560xi32, #tpu.memory_space<hbm>> -> memref<96xi32, #tpu.memory_space<hbm>>
    tpu.wait_dma2 semaphore(%arg20 : memref<!tpu.dma_semaphore, #tpu.memory_space<semaphore_mem>>) src(%dma_wait3A_61 : memref<96xi32, #tpu.memory_space<hbm>>) dst(%arg11 : memref<96xi32, #tpu.memory_space<vmem>>)
    %dma_start3A_62 = arith.constant 0 : i32
    %dma_start3A_63 = arith.constant 0 : i32
    %dma_start3A_64 = tpu.memref_slice %arg8[%dma_start3A_62, %dma_start3A_63] : memref<10112x128xf32, #tpu.memory_space<vmem_shared>> -> memref<10112x128xf32, #tpu.memory_space<vmem_shared>>
    tpu.enqueue_indirect_dma source(%arg14 : memref<96x128xf32, #tpu.memory_space<vmem>>) target(%dma_start3A_64 : memref<10112x128xf32, #tpu.memory_space<vmem_shared>>) offsets(%arg11 : memref<96xi32, #tpu.memory_space<vmem>>) semaphore(%arg23 : memref<!tpu.dma_semaphore, #tpu.memory_space<semaphore_mem>>) {add = true}
    %dma_wait3A_65 = arith.constant 0 : i32
    %dma_wait3A_66 = tpu.memref_slice %arg9[%dma_wait3A_65] : memref<10080xi32, #tpu.memory_space<vmem>> -> memref<96xi32, #tpu.memory_space<vmem>>
    %dma_wait3A_67 = arith.constant 0 : i32
    %dma_wait3A_68 = arith.constant 0 : i32
    %dma_wait3A_69 = tpu.memref_slice %arg2[%dma_wait3A_67, %dma_wait3A_68] : memref<10000x128xf32, #tpu.memory_space<hbm>> -> memref<10000x128xf32, #tpu.memory_space<hbm>>
    tpu.wait_indirect_dma semaphore(%arg18 : memref<!tpu.dma_semaphore, #tpu.memory_space<semaphore_mem>>) src(%dma_wait3A_69 : memref<10000x128xf32, #tpu.memory_space<hbm>>) dst(%arg15 : memref<96x128xf32, #tpu.memory_space<vmem>>)
    %dma_wait3A_70 = tpu.memref_slice %arg4[%mul3A_8] : memref<322560xi32, #tpu.memory_space<hbm>> -> memref<96xi32, #tpu.memory_space<hbm>>
    %dma_wait3A_71 = tpu.memref_slice %arg4[%mul3A_8] : memref<322560xi32, #tpu.memory_space<hbm>> -> memref<96xi32, #tpu.memory_space<hbm>>
    tpu.wait_dma2 semaphore(%arg21 : memref<!tpu.dma_semaphore, #tpu.memory_space<semaphore_mem>>) src(%dma_wait3A_71 : memref<96xi32, #tpu.memory_space<hbm>>) dst(%arg12 : memref<96xi32, #tpu.memory_space<vmem>>)
    %dma_start3A_72 = arith.constant 0 : i32
    %dma_start3A_73 = arith.constant 0 : i32
    %dma_start3A_74 = tpu.memref_slice %arg8[%dma_start3A_72, %dma_start3A_73] : memref<10112x128xf32, #tpu.memory_space<vmem_shared>> -> memref<10112x128xf32, #tpu.memory_space<vmem_shared>>
    tpu.enqueue_indirect_dma source(%arg15 : memref<96x128xf32, #tpu.memory_space<vmem>>) target(%dma_start3A_74 : memref<10112x128xf32, #tpu.memory_space<vmem_shared>>) offsets(%arg12 : memref<96xi32, #tpu.memory_space<vmem>>) semaphore(%arg24 : memref<!tpu.dma_semaphore, #tpu.memory_space<semaphore_mem>>) {add = true}
    %dma_wait3A_75 = arith.constant 0 : i32
    %dma_wait3A_76 = arith.constant 0 : i32
    %dma_wait3A_77 = tpu.memref_slice %arg8[%dma_wait3A_75, %dma_wait3A_76] : memref<10112x128xf32, #tpu.memory_space<vmem_shared>> -> memref<10112x128xf32, #tpu.memory_space<vmem_shared>>
    tpu.wait_indirect_dma semaphore(%arg22 : memref<!tpu.dma_semaphore, #tpu.memory_space<semaphore_mem>>) src(%arg13 : memref<96x128xf32, #tpu.memory_space<vmem>>) dst(%dma_wait3A_77 : memref<10112x128xf32, #tpu.memory_space<vmem_shared>>)
    %dma_wait3A_78 = arith.constant 0 : i32
    %dma_wait3A_79 = arith.constant 0 : i32
    %dma_wait3A_80 = tpu.memref_slice %arg8[%dma_wait3A_78, %dma_wait3A_79] : memref<10112x128xf32, #tpu.memory_space<vmem_shared>> -> memref<10112x128xf32, #tpu.memory_space<vmem_shared>>
    tpu.wait_indirect_dma semaphore(%arg23 : memref<!tpu.dma_semaphore, #tpu.memory_space<semaphore_mem>>) src(%arg14 : memref<96x128xf32, #tpu.memory_space<vmem>>) dst(%dma_wait3A_80 : memref<10112x128xf32, #tpu.memory_space<vmem_shared>>)
    %dma_wait3A_81 = arith.constant 0 : i32
    %dma_wait3A_82 = arith.constant 0 : i32
    %dma_wait3A_83 = tpu.memref_slice %arg8[%dma_wait3A_81, %dma_wait3A_82] : memref<10112x128xf32, #tpu.memory_space<vmem_shared>> -> memref<10112x128xf32, #tpu.memory_space<vmem_shared>>
    tpu.wait_indirect_dma semaphore(%arg24 : memref<!tpu.dma_semaphore, #tpu.memory_space<semaphore_mem>>) src(%arg15 : memref<96x128xf32, #tpu.memory_space<vmem>>) dst(%dma_wait3A_83 : memref<10112x128xf32, #tpu.memory_space<vmem_shared>>)
    %barrier3A_84 = arith.constant 0 : index
    tpu.barrier barrier_id(%barrier3A_84)
    %eq3A = arith.constant 0 : i32
    %eq3A_85 = arith.cmpi eq, %arg0, %eq3A : i32
    %convert_element_type3A = arith.extui %eq3A_85 : i1 to i32
    %cond3A = arith.constant 0 : i32
    %cond3A_86 = arith.cmpi ne, %convert_element_type3A, %cond3A : i32
    scf.if %cond3A_86 {
      %mul3A_92 = arith.constant 632 : i32
      %mul3A_93 = arith.muli %arg1, %mul3A_92 : i32
      %mul3A_94 = arith.constant 632 : i32
      %mul3A_95 = arith.muli %arg1, %mul3A_94 : i32
      "tpu.region"() ({
        %run_scoped3A = tpu.sem_alloc : memref<!tpu.dma_semaphore, #tpu.memory_space<semaphore_mem>>
        %dma_start3A_96 = arith.constant 0 : i32
        %dma_start3A_97 = tpu.memref_slice %arg6[%mul3A_95, %dma_start3A_96] : memref<10112x128xf32, #tpu.memory_space<hbm>> -> memref<632x128xf32, #tpu.memory_space<hbm>>
        %dma_start3A_98 = arith.constant 0 : i32
        %dma_start3A_99 = tpu.memref_slice %arg8[%mul3A_93, %dma_start3A_98] : memref<10112x128xf32, #tpu.memory_space<vmem_shared>> -> memref<632x128xf32, #tpu.memory_space<vmem_shared>>
        tpu.enqueue_dma source(%dma_start3A_99 : memref<632x128xf32, #tpu.memory_space<vmem_shared>>) target(%dma_start3A_97 : memref<632x128xf32, #tpu.memory_space<hbm>>) target_semaphore(%run_scoped3A : memref<!tpu.dma_semaphore, #tpu.memory_space<semaphore_mem>>)
        %dma_wait3A_100 = arith.constant 0 : i32
        %dma_wait3A_101 = tpu.memref_slice %arg6[%mul3A_95, %dma_wait3A_100] : memref<10112x128xf32, #tpu.memory_space<hbm>> -> memref<632x128xf32, #tpu.memory_space<hbm>>
        %dma_wait3A_102 = arith.constant 0 : i32
        %dma_wait3A_103 = tpu.memref_slice %arg8[%mul3A_93, %dma_wait3A_102] : memref<10112x128xf32, #tpu.memory_space<vmem_shared>> -> memref<632x128xf32, #tpu.memory_space<vmem_shared>>
        tpu.wait_dma2 semaphore(%run_scoped3A : memref<!tpu.dma_semaphore, #tpu.memory_space<semaphore_mem>>) src(%dma_wait3A_103 : memref<632x128xf32, #tpu.memory_space<vmem_shared>>) dst(%dma_wait3A_101 : memref<632x128xf32, #tpu.memory_space<hbm>>)
        tpu.yield
      }) : () -> ()
    } else {
    }
    %eq3A_87 = arith.constant 1 : i32
    %eq3A_88 = arith.cmpi eq, %arg0, %eq3A_87 : i32
    %convert_element_type3A_89 = arith.extui %eq3A_88 : i1 to i32
    %cond3A_90 = arith.constant 0 : i32
    %cond3A_91 = arith.cmpi ne, %convert_element_type3A_89, %cond3A_90 : i32
    scf.if %cond3A_91 {
      %mul3A_92 = arith.constant 632 : i32
      %mul3A_93 = arith.muli %arg1, %mul3A_92 : i32
      %mul3A_94 = arith.constant 632 : i32
      %mul3A_95 = arith.muli %arg1, %mul3A_94 : i32
      "tpu.region"() ({
        %run_scoped3A = tpu.sem_alloc : memref<!tpu.dma_semaphore, #tpu.memory_space<semaphore_mem>>
        %dma_start3A_96 = arith.constant 0 : i32
        %dma_start3A_97 = tpu.memref_slice %arg7[%mul3A_95, %dma_start3A_96] : memref<10112x128xf32, #tpu.memory_space<hbm>> -> memref<632x128xf32, #tpu.memory_space<hbm>>
        %dma_start3A_98 = arith.constant 0 : i32
        %dma_start3A_99 = tpu.memref_slice %arg8[%mul3A_93, %dma_start3A_98] : memref<10112x128xf32, #tpu.memory_space<vmem_shared>> -> memref<632x128xf32, #tpu.memory_space<vmem_shared>>
        tpu.enqueue_dma source(%dma_start3A_99 : memref<632x128xf32, #tpu.memory_space<vmem_shared>>) target(%dma_start3A_97 : memref<632x128xf32, #tpu.memory_space<hbm>>) target_semaphore(%run_scoped3A : memref<!tpu.dma_semaphore, #tpu.memory_space<semaphore_mem>>)
        %dma_wait3A_100 = arith.constant 0 : i32
        %dma_wait3A_101 = tpu.memref_slice %arg7[%mul3A_95, %dma_wait3A_100] : memref<10112x128xf32, #tpu.memory_space<hbm>> -> memref<632x128xf32, #tpu.memory_space<hbm>>
        %dma_wait3A_102 = arith.constant 0 : i32
        %dma_wait3A_103 = tpu.memref_slice %arg8[%mul3A_93, %dma_wait3A_102] : memref<10112x128xf32, #tpu.memory_space<vmem_shared>> -> memref<632x128xf32, #tpu.memory_space<vmem_shared>>
        tpu.wait_dma2 semaphore(%run_scoped3A : memref<!tpu.dma_semaphore, #tpu.memory_space<semaphore_mem>>) src(%dma_wait3A_103 : memref<632x128xf32, #tpu.memory_space<vmem_shared>>) dst(%dma_wait3A_101 : memref<632x128xf32, #tpu.memory_space<hbm>>)
        tpu.yield
      }) : () -> ()
    } else {
    }
    return
  }
}

module attributes {stable_mosaic.version = 14 : i64} {
  func.func @_mlp_body(%arg0: i32, %arg1: memref<2000x128xf32, #tpu.memory_space<vmem>>, %arg2: memref<2000x128xf32, #tpu.memory_space<vmem>>, %arg3: memref<2000x128xf32, #tpu.memory_space<vmem>>, %arg4: memref<1x128xf32, #tpu.memory_space<vmem>>, %arg5: memref<128x128xf32, #tpu.memory_space<vmem>>, %arg6: memref<1x128xf32, #tpu.memory_space<vmem>>, %arg7: memref<128x128xf32, #tpu.memory_space<vmem>>, %arg8: memref<1x128xf32, #tpu.memory_space<vmem>>, %arg9: memref<2000x128xf32, #tpu.memory_space<vmem>>) attributes {dimension_semantics = [#tpu.dimension_semantics<arbitrary>], iteration_bounds = array<i64: 5>, scalar_prefetch = 0 : i64, scratch_operands = 0 : i64, tpu.core_type = #tpu.core_type<tc>, window_params = [{transform_indices = @transform_0, window_bounds = array<i64: 2000, 128>}, {transform_indices = @transform_1, window_bounds = array<i64: 2000, 128>}, {transform_indices = @transform_2, window_bounds = array<i64: 2000, 128>}, {pipeline_mode = #tpu.pipeline_mode<synchronous>, transform_indices = @transform_3, window_bounds = array<i64: 1, 128>}, {pipeline_mode = #tpu.pipeline_mode<synchronous>, transform_indices = @transform_4, window_bounds = array<i64: 128, 128>}, {pipeline_mode = #tpu.pipeline_mode<synchronous>, transform_indices = @transform_5, window_bounds = array<i64: 1, 128>}, {pipeline_mode = #tpu.pipeline_mode<synchronous>, transform_indices = @transform_6, window_bounds = array<i64: 128, 128>}, {pipeline_mode = #tpu.pipeline_mode<synchronous>, transform_indices = @transform_7, window_bounds = array<i64: 1, 128>}, {transform_indices = @transform_8, window_bounds = array<i64: 2000, 128>}]} {
    %get3A = arith.constant 0 : index
    %get3A_0 = arith.constant 0 : index
    %get3A_1 = vector.load %arg1[%get3A, %get3A_0] : memref<2000x128xf32, #tpu.memory_space<vmem>>, vector<2000x128xf32>
    %get3A_2 = arith.constant 0 : index
    %get3A_3 = arith.constant 0 : index
    %get3A_4 = vector.load %arg4[%get3A_2, %get3A_3] : memref<1x128xf32, #tpu.memory_space<vmem>>, vector<1x128xf32>
    %mul3A = vector.broadcast %get3A_4 : vector<1x128xf32> to vector<2000x128xf32>
    %mul3A_5 = arith.mulf %get3A_1, %mul3A : vector<2000x128xf32>
    %get3A_6 = arith.constant 0 : index
    %get3A_7 = arith.constant 0 : index
    %get3A_8 = vector.load %arg2[%get3A_6, %get3A_7] : memref<2000x128xf32, #tpu.memory_space<vmem>>, vector<2000x128xf32>
    %add3A = arith.addf %mul3A_5, %get3A_8 : vector<2000x128xf32>
    %get3A_9 = arith.constant 0 : index
    %get3A_10 = arith.constant 0 : index
    %get3A_11 = vector.load %arg3[%get3A_9, %get3A_10] : memref<2000x128xf32, #tpu.memory_space<vmem>>, vector<2000x128xf32>
    %add3A_12 = arith.addf %add3A, %get3A_11 : vector<2000x128xf32>
    %get3A_13 = arith.constant 0 : index
    %get3A_14 = arith.constant 0 : index
    %get3A_15 = vector.load %arg5[%get3A_13, %get3A_14] : memref<128x128xf32, #tpu.memory_space<vmem>>, vector<128x128xf32>
    %dot_general3A = arith.constant dense<0.000000e+00> : vector<2000x128xf32>
    %dot_general3A_16 = tpu.matmul %add3A_12, %get3A_15, %dot_general3A {dimension_numbers = #tpu.dot_dimension_numbers<[1], [1], [0], [0], [0, 0, 1, 0], [], []>, transpose_lhs_hint = false} : vector<2000x128xf32>, vector<128x128xf32>, vector<2000x128xf32> -> vector<2000x128xf32>
    %get3A_17 = arith.constant 0 : index
    %get3A_18 = arith.constant 0 : index
    %get3A_19 = vector.load %arg6[%get3A_17, %get3A_18] : memref<1x128xf32, #tpu.memory_space<vmem>>, vector<1x128xf32>
    %add3A_20 = vector.broadcast %get3A_19 : vector<1x128xf32> to vector<2000x128xf32>
    %add3A_21 = arith.addf %dot_general3A_16, %add3A_20 : vector<2000x128xf32>
    %max3A = arith.constant 0.000000e+00 : f32
    %max3A_22 = vector.broadcast %max3A : f32 to vector<2000x128xf32>
    %max3A_23 = arith.maximumf %add3A_21, %max3A_22 : vector<2000x128xf32>
    %get3A_24 = arith.constant 0 : index
    %get3A_25 = arith.constant 0 : index
    %get3A_26 = vector.load %arg7[%get3A_24, %get3A_25] : memref<128x128xf32, #tpu.memory_space<vmem>>, vector<128x128xf32>
    %dot_general3A_27 = arith.constant dense<0.000000e+00> : vector<2000x128xf32>
    %dot_general3A_28 = tpu.matmul %max3A_23, %get3A_26, %dot_general3A_27 {dimension_numbers = #tpu.dot_dimension_numbers<[1], [1], [0], [0], [0, 0, 1, 0], [], []>, transpose_lhs_hint = false} : vector<2000x128xf32>, vector<128x128xf32>, vector<2000x128xf32> -> vector<2000x128xf32>
    %get3A_29 = arith.constant 0 : index
    %get3A_30 = arith.constant 0 : index
    %get3A_31 = vector.load %arg8[%get3A_29, %get3A_30] : memref<1x128xf32, #tpu.memory_space<vmem>>, vector<1x128xf32>
    %add3A_32 = vector.broadcast %get3A_31 : vector<1x128xf32> to vector<2000x128xf32>
    %add3A_33 = arith.addf %dot_general3A_28, %add3A_32 : vector<2000x128xf32>
    %max3A_34 = arith.constant 0.000000e+00 : f32
    %max3A_35 = vector.broadcast %max3A_34 : f32 to vector<2000x128xf32>
    %max3A_36 = arith.maximumf %add3A_33, %max3A_35 : vector<2000x128xf32>
    %swap3A = arith.constant 0 : index
    %swap3A_37 = arith.constant 0 : index
    %swap3A_38 = vector.load %arg9[%swap3A, %swap3A_37] : memref<2000x128xf32, #tpu.memory_space<vmem>>, vector<2000x128xf32>
    tpu.vector_store %arg9[%swap3A, %swap3A_37], %max3A_36 {strides = array<i32>} : memref<2000x128xf32, #tpu.memory_space<vmem>>, vector<2000x128xf32>,
    return
  }
  func.func @transform_0(%arg0: i32) -> (i32, i32) {
    %c0_i32 = arith.constant 0 : i32
    %c0_i32_0 = arith.constant 0 : i32
    return %arg0, %c0_i32 : i32, i32
  }
  func.func @transform_1(%arg0: i32) -> (i32, i32) {
    %c0_i32 = arith.constant 0 : i32
    %c0_i32_0 = arith.constant 0 : i32
    return %arg0, %c0_i32 : i32, i32
  }
  func.func @transform_2(%arg0: i32) -> (i32, i32) {
    %c0_i32 = arith.constant 0 : i32
    %c0_i32_0 = arith.constant 0 : i32
    return %arg0, %c0_i32 : i32, i32
  }
  func.func @transform_3(%arg0: i32) -> (i32, i32) {
    %c0_i32 = arith.constant 0 : i32
    %c0_i32_0 = arith.constant 0 : i32
    %c0_i32_1 = arith.constant 0 : i32
    return %c0_i32, %c0_i32_0 : i32, i32
  }
  func.func @transform_4(%arg0: i32) -> (i32, i32) {
    %c0_i32 = arith.constant 0 : i32
    %c0_i32_0 = arith.constant 0 : i32
    %c0_i32_1 = arith.constant 0 : i32
    return %c0_i32, %c0_i32_0 : i32, i32
  }
  func.func @transform_5(%arg0: i32) -> (i32, i32) {
    %c0_i32 = arith.constant 0 : i32
    %c0_i32_0 = arith.constant 0 : i32
    %c0_i32_1 = arith.constant 0 : i32
    return %c0_i32, %c0_i32_0 : i32, i32
  }
  func.func @transform_6(%arg0: i32) -> (i32, i32) {
    %c0_i32 = arith.constant 0 : i32
    %c0_i32_0 = arith.constant 0 : i32
    %c0_i32_1 = arith.constant 0 : i32
    return %c0_i32, %c0_i32_0 : i32, i32
  }
  func.func @transform_7(%arg0: i32) -> (i32, i32) {
    %c0_i32 = arith.constant 0 : i32
    %c0_i32_0 = arith.constant 0 : i32
    %c0_i32_1 = arith.constant 0 : i32
    return %c0_i32, %c0_i32_0 : i32, i32
  }
  func.func @transform_8(%arg0: i32) -> (i32, i32) {
    %c0_i32 = arith.constant 0 : i32
    %c0_i32_0 = arith.constant 0 : i32
    return %arg0, %c0_i32 : i32, i32
  }
}

module attributes {stable_mosaic.version = 14 : i64} {
  func.func @_mlp_body(%arg0: i32, %arg1: memref<2000x128xf32, #tpu.memory_space<vmem>>, %arg2: memref<2000x128xf32, #tpu.memory_space<vmem>>, %arg3: memref<2000x128xf32, #tpu.memory_space<vmem>>, %arg4: memref<1x128xf32, #tpu.memory_space<vmem>>, %arg5: memref<128x128xf32, #tpu.memory_space<vmem>>, %arg6: memref<1x128xf32, #tpu.memory_space<vmem>>, %arg7: memref<128x128xf32, #tpu.memory_space<vmem>>, %arg8: memref<1x128xf32, #tpu.memory_space<vmem>>, %arg9: memref<2000x128xf32, #tpu.memory_space<vmem>>) attributes {dimension_semantics = [#tpu.dimension_semantics<arbitrary>], iteration_bounds = array<i64: 5>, scalar_prefetch = 0 : i64, scratch_operands = 0 : i64, tpu.core_type = #tpu.core_type<tc>, window_params = [{transform_indices = @transform_0, window_bounds = array<i64: 2000, 128>}, {transform_indices = @transform_1, window_bounds = array<i64: 2000, 128>}, {transform_indices = @transform_2, window_bounds = array<i64: 2000, 128>}, {pipeline_mode = #tpu.pipeline_mode<synchronous>, transform_indices = @transform_3, window_bounds = array<i64: 1, 128>}, {pipeline_mode = #tpu.pipeline_mode<synchronous>, transform_indices = @transform_4, window_bounds = array<i64: 128, 128>}, {pipeline_mode = #tpu.pipeline_mode<synchronous>, transform_indices = @transform_5, window_bounds = array<i64: 1, 128>}, {pipeline_mode = #tpu.pipeline_mode<synchronous>, transform_indices = @transform_6, window_bounds = array<i64: 128, 128>}, {pipeline_mode = #tpu.pipeline_mode<synchronous>, transform_indices = @transform_7, window_bounds = array<i64: 1, 128>}, {transform_indices = @transform_8, window_bounds = array<i64: 2000, 128>}]} {
    %get3A = arith.constant 0 : index
    %get3A_0 = arith.constant 0 : index
    %get3A_1 = vector.load %arg1[%get3A, %get3A_0] : memref<2000x128xf32, #tpu.memory_space<vmem>>, vector<2000x128xf32>
    %get3A_2 = arith.constant 0 : index
    %get3A_3 = arith.constant 0 : index
    %get3A_4 = vector.load %arg4[%get3A_2, %get3A_3] : memref<1x128xf32, #tpu.memory_space<vmem>>, vector<1x128xf32>
    %mul3A = vector.broadcast %get3A_4 : vector<1x128xf32> to vector<2000x128xf32>
    %mul3A_5 = arith.mulf %get3A_1, %mul3A : vector<2000x128xf32>
    %get3A_6 = arith.constant 0 : index
    %get3A_7 = arith.constant 0 : index
    %get3A_8 = vector.load %arg2[%get3A_6, %get3A_7] : memref<2000x128xf32, #tpu.memory_space<vmem>>, vector<2000x128xf32>
    %add3A = arith.addf %mul3A_5, %get3A_8 : vector<2000x128xf32>
    %get3A_9 = arith.constant 0 : index
    %get3A_10 = arith.constant 0 : index
    %get3A_11 = vector.load %arg3[%get3A_9, %get3A_10] : memref<2000x128xf32, #tpu.memory_space<vmem>>, vector<2000x128xf32>
    %add3A_12 = arith.addf %add3A, %get3A_11 : vector<2000x128xf32>
    %get3A_13 = arith.constant 0 : index
    %get3A_14 = arith.constant 0 : index
    %get3A_15 = vector.load %arg5[%get3A_13, %get3A_14] : memref<128x128xf32, #tpu.memory_space<vmem>>, vector<128x128xf32>
    %dot_general3A = arith.constant dense<0.000000e+00> : vector<2000x128xf32>
    %dot_general3A_16 = tpu.matmul %add3A_12, %get3A_15, %dot_general3A {dimension_numbers = #tpu.dot_dimension_numbers<[1], [1], [0], [0], [0, 0, 1, 0], [], []>, transpose_lhs_hint = false} : vector<2000x128xf32>, vector<128x128xf32>, vector<2000x128xf32> -> vector<2000x128xf32>
    %get3A_17 = arith.constant 0 : index
    %get3A_18 = arith.constant 0 : index
    %get3A_19 = vector.load %arg6[%get3A_17, %get3A_18] : memref<1x128xf32, #tpu.memory_space<vmem>>, vector<1x128xf32>
    %add3A_20 = vector.broadcast %get3A_19 : vector<1x128xf32> to vector<2000x128xf32>
    %add3A_21 = arith.addf %dot_general3A_16, %add3A_20 : vector<2000x128xf32>
    %max3A = arith.constant 0.000000e+00 : f32
    %max3A_22 = vector.broadcast %max3A : f32 to vector<2000x128xf32>
    %max3A_23 = arith.maximumf %add3A_21, %max3A_22 : vector<2000x128xf32>
    %get3A_24 = arith.constant 0 : index
    %get3A_25 = arith.constant 0 : index
    %get3A_26 = vector.load %arg7[%get3A_24, %get3A_25] : memref<128x128xf32, #tpu.memory_space<vmem>>, vector<128x128xf32>
    %dot_general3A_27 = arith.constant dense<0.000000e+00> : vector<2000x128xf32>
    %dot_general3A_28 = tpu.matmul %max3A_23, %get3A_26, %dot_general3A_27 {dimension_numbers = #tpu.dot_dimension_numbers<[1], [1], [0], [0], [0, 0, 1, 0], [], []>, transpose_lhs_hint = false} : vector<2000x128xf32>, vector<128x128xf32>, vector<2000x128xf32> -> vector<2000x128xf32>
    %get3A_29 = arith.constant 0 : index
    %get3A_30 = arith.constant 0 : index
    %get3A_31 = vector.load %arg8[%get3A_29, %get3A_30] : memref<1x128xf32, #tpu.memory_space<vmem>>, vector<1x128xf32>
    %add3A_32 = vector.broadcast %get3A_31 : vector<1x128xf32> to vector<2000x128xf32>
    %add3A_33 = arith.addf %dot_general3A_28, %add3A_32 : vector<2000x128xf32>
    %reduce_max3A = arith.constant dense<0xFF800000> : vector<2000xf32>
    %reduce_max3A_34 = vector.multi_reduction <maximumf>, %add3A_33, %reduce_max3A [1] : vector<2000x128xf32> to vector<2000xf32>
    %broadcast_in_dim3A = vector.shape_cast %reduce_max3A_34 : vector<2000xf32> to vector<2000x1xf32>
    %sub3A = vector.broadcast %broadcast_in_dim3A : vector<2000x1xf32> to vector<2000x128xf32>
    %sub3A_35 = arith.subf %add3A_33, %sub3A : vector<2000x128xf32>
    %exp3A = math.exp %sub3A_35 : vector<2000x128xf32>
    %reduce_sum3A = arith.constant dense<0.000000e+00> : vector<2000xf32>
    %reduce_sum3A_36 = vector.multi_reduction <add>, %exp3A, %reduce_sum3A [1] : vector<2000x128xf32> to vector<2000xf32>
    %broadcast_in_dim3A_37 = vector.shape_cast %reduce_sum3A_36 : vector<2000xf32> to vector<2000x1xf32>
    %log3A = math.log %broadcast_in_dim3A_37 : vector<2000x1xf32>
    %add3A_38 = arith.addf %log3A, %broadcast_in_dim3A : vector<2000x1xf32>
    %sub3A_39 = vector.broadcast %add3A_38 : vector<2000x1xf32> to vector<2000x128xf32>
    %sub3A_40 = arith.subf %add3A_33, %sub3A_39 : vector<2000x128xf32>
    %swap3A = arith.constant 0 : index
    %swap3A_41 = arith.constant 0 : index
    %swap3A_42 = vector.load %arg9[%swap3A, %swap3A_41] : memref<2000x128xf32, #tpu.memory_space<vmem>>, vector<2000x128xf32>
    tpu.vector_store %arg9[%swap3A, %swap3A_41], %sub3A_40 {strides = array<i32>} : memref<2000x128xf32, #tpu.memory_space<vmem>>, vector<2000x128xf32>,
    return
  }
  func.func @transform_0(%arg0: i32) -> (i32, i32) {
    %c0_i32 = arith.constant 0 : i32
    %c0_i32_0 = arith.constant 0 : i32
    return %arg0, %c0_i32 : i32, i32
  }
  func.func @transform_1(%arg0: i32) -> (i32, i32) {
    %c0_i32 = arith.constant 0 : i32
    %c0_i32_0 = arith.constant 0 : i32
    return %arg0, %c0_i32 : i32, i32
  }
  func.func @transform_2(%arg0: i32) -> (i32, i32) {
    %c0_i32 = arith.constant 0 : i32
    %c0_i32_0 = arith.constant 0 : i32
    return %arg0, %c0_i32 : i32, i32
  }
  func.func @transform_3(%arg0: i32) -> (i32, i32) {
    %c0_i32 = arith.constant 0 : i32
    %c0_i32_0 = arith.constant 0 : i32
    %c0_i32_1 = arith.constant 0 : i32
    return %c0_i32, %c0_i32_0 : i32, i32
  }
  func.func @transform_4(%arg0: i32) -> (i32, i32) {
    %c0_i32 = arith.constant 0 : i32
    %c0_i32_0 = arith.constant 0 : i32
    %c0_i32_1 = arith.constant 0 : i32
    return %c0_i32, %c0_i32_0 : i32, i32
  }
  func.func @transform_5(%arg0: i32) -> (i32, i32) {
    %c0_i32 = arith.constant 0 : i32
    %c0_i32_0 = arith.constant 0 : i32
    %c0_i32_1 = arith.constant 0 : i32
    return %c0_i32, %c0_i32_0 : i32, i32
  }
  func.func @transform_6(%arg0: i32) -> (i32, i32) {
    %c0_i32 = arith.constant 0 : i32
    %c0_i32_0 = arith.constant 0 : i32
    %c0_i32_1 = arith.constant 0 : i32
    return %c0_i32, %c0_i32_0 : i32, i32
  }
  func.func @transform_7(%arg0: i32) -> (i32, i32) {
    %c0_i32 = arith.constant 0 : i32
    %c0_i32_0 = arith.constant 0 : i32
    %c0_i32_1 = arith.constant 0 : i32
    return %c0_i32, %c0_i32_0 : i32, i32
  }
  func.func @transform_8(%arg0: i32) -> (i32, i32) {
    %c0_i32 = arith.constant 0 : i32
    %c0_i32_0 = arith.constant 0 : i32
    return %arg0, %c0_i32 : i32, i32
  }
}

</mosaic_0001>

<sc_bundles>
// kernel: kernel.6.cloned.1.call-start
scs
__scs_entry_jumppad:
0x0: {  	(pc) =	sbr.rel $0x88, $3  }
0x1: {  	(tag) =	ssettag $0x0;
	lr =	simm.s32 $0x1  }
0x2: {  	[smem:$0x3F95] =	sst lr;
	_ =	strace $0xD0000000  }
0x3: {  	_ = 	snop  }
0x4: {  	_ = 	snop  }
0x5: {  	_ = 	snop  }
0x6: {  	_ = 	snop  }
0x7: {  	_ = 	snop  }
__scs_overlays_trampoline_lowered:
0x8: {  	[smem:$0x3FA4] =	sst s0  }
0x9: {  	[smem:$0x3FA5] =	sst s1  }
0xa: {  	[smem:$0x3FA6] =	sst s2  }
0xb: {  	[smem:$0x3FA7] =	sst s3  }
0xc: {  	[smem:$0x3FA8] =	sst s4  }
0xd: {  	[smem:$0x3FA9] =	sst s5  }
0xe: {  	[smem:$0x3FAA] =	sst s6  }
0xf: {  	[smem:$0x3FAB] =	sst s7  }
0x10: {  	[smem:$0x3FAC] =	sst s8  }
0x11: {  	[smem:$0x3FAD] =	sst s9;
	s0 =	simm.s32 @!p0 $0x0  }
0x12: {  	s1 =	sld [smem:$0x3F93];
	s0 =	simm.s32 @p0 $0x1  }
0x13: {  	[smem:$0x3FAE] =	sst s0;
	s0 =	simm.s32 @!p1 $0x0  }
0x14: {  	s2 =	sld [smem:$0x3F92];
	s0 =	simm.s32 @p1 $0x1  }
0x15: {  	[smem:$0x3FAF] =	sst s0;
	s0 =	simm.s32 @!p2 $0x0  }
0x16: {  	s3 =	sld [smem:$0x3FDB];
	s0 =	simm.s32 @p2 $0x1  }
0x17: {  	s4 =	simm.s32 $0x1BF5;
	[smem:$0x3FB1] =	sst s0  }
0x18: {  	s0 =	sld [smem:$0x3F94];
	_ =	swait.ge [sflag:s4], $0x0  }
0x19: {  	s7 =	sld [smem:$0x3F95]  }
0x1a: {  	s8 =	sadd.s32 $0xFFFFE003, lr  }
0x1b: {  	s9 =	sadd.s32 $0xFFFFFEF7, lr;
	s5 =	simm.s32 $0xFFFFFFFF;
	p2 =	slt.u32 s8, $0xFFFFF086  }
0x1c: {  	p1 =	slt.u32 s9, $0xF7A;
	s5 =	simm.s32 @!p2 $0x0  }
0x1d: {  	s5 =	simm.s32 @p1 $0x1;
	p0 =	seq.s32 s7, s2  }
0x1e: {  	s7 =	smul.u32 @!p0 $0xF7A, s2;
	p2 =	seq.s32 @!p0 s5, $0x0  }
0x1f: {  	s9 =	smul.u32 $0xF7A, s1;
	s8 =	simm.s32 @!p0 $0x1BF5;
	p2 =	por !p2, p0  }
0x20: {  	[sflag:s8] =	ssyncset.s32 @!p0 $0xFFFFF086;
	s6 =	sadd.s32 @!p0 s3, s7;
	s7 =	simm.s32 @!p0 $0x108  }
0x21: {  	s3 =	sadd.s32 s3, s9;
	s6 =	sadd.s32 @!p0 $0x88, s6;
	s7 =	simm.s32 @p2 $0x1082  }
0x22: {  	[simem:s7], [sflag:s8] =	dma.local @!p0 [hbm:s6], $0xF7A  }
0x23: {  	s9 =	sor.u32 $0xD0000000, s2;
	s6 =	simm.s32 $0x108;
	_ =	swait.ge @!p0 [sflag:s8], $0x0  }
0x24: {  	s3 =	sadd.s32 $0x88, s3;
	s6 =	simm.s32 @!p1 $0x1082;
	[sflag:s4] =	ssyncset.s32 $0xFFFFF086  }
0x25: {  	[simem:s6], [sflag:s4] =	dma.local [hbm:s3], $0xF7A  }
0x26: {  	[smem:$0x3F95] =	sst s1;
	(tag) =	ssettag s2;
	_ =	strace s9  }
0x27: {  	s1 =	sld [smem:$0x3FA5]  }
0x28: {  	s2 =	sld [smem:$0x3FA6]  }
0x29: {  	s4 =	sld [smem:$0x3FA8]  }
0x2a: {  	p0 =	seq.s32 s5, $0x0;
	s5 =	sld [smem:$0x3FA9]  }
0x2b: {  	s6 =	sld [smem:$0x3FAA]  }
0x2c: {  	s7 =	sld [smem:$0x3FAB]  }
0x2d: {  	s3 =	simm.s32 $0x108;
	s8 =	sld [smem:$0x3FAC]  }
0x2e: {  	s3 =	simm.s32 @!p0 $0x1082;
	s9 =	sld [smem:$0x3FAD]  }
0x2f: {  	lr =	sadd.s32 s0, s3;
	s0 =	sld [smem:$0x3FA4]  }
0x30: {  	s3 =	sld [smem:$0x3FA7]  }
0x31: {  	[smem:$0x3FB0] =	sst s10  }
0x32: {  	s10 =	sld [smem:$0x3FAE];
	_ =	sdelay $0x3  }
0x33: {  	p0 =	seq.s32 s10, $0x1;
	s10 =	sld [smem:$0x3FB0];
	_ =	sdelay $0x3  }
0x34: {  	[smem:$0x3FB0] =	sst s10  }
0x35: {  	s10 =	sld [smem:$0x3FAF];
	_ =	sdelay $0x3  }
0x36: {  	p1 =	seq.s32 s10, $0x1;
	s10 =	sld [smem:$0x3FB0];
	_ =	sdelay $0x3  }
0x37: {  	[smem:$0x3FB0] =	sst s10  }
0x38: {  	s10 =	sld [smem:$0x3FB1]  }
0x39: {  	_ = 	snop;
	(pc) =	sbr.ind lr, $3  }
0x3a: {  	_ = 	snop  }
0x3b: {  	_ = 	snop  }
0x3c: {  	p2 =	seq.s32 s10, $0x1;
	s10 =	sld [smem:$0x3FB0]  }
0x3d: {  	_ =	shalt  }
0x3e: {  	_ =	shalt  }
0x3f: {  	_ =	shalt  }
0x40: {  	_ =	shalt  }
0x41: {  	_ =	shalt  }
0x42: {  	_ =	shalt  }
0x43: {  	_ =	shalt  }
0x44: {  	_ =	shalt  }
0x45: {  	_ =	shalt  }
0x46: {  	_ =	shalt  }
0x47: {  	_ =	shalt  }
0x48: {  	_ =	shalt  }
0x49: {  	_ =	shalt  }
0x4a: {  	_ =	shalt  }
0x4b: {  	_ =	shalt  }
0x4c: {  	_ =	shalt  }
0x4d: {  	_ =	shalt  }
0x4e: {  	_ =	shalt  }
0x4f: {  	_ =	shalt  }
0x50: {  	_ =	shalt  }
0x51: {  	_ =	shalt  }
0x52: {  	_ =	shalt  }
0x53: {  	_ =	shalt  }
0x54: {  	_ =	shalt  }
0x55: {  	_ =	shalt  }
0x56: {  	_ =	shalt  }
0x57: {  	_ =	shalt  }
0x58: {  	_ =	shalt  }
0x59: {  	_ =	shalt  }
0x5a: {  	_ =	shalt  }
0x5b: {  	_ =	shalt  }
0x5c: {  	_ =	shalt  }
0x5d: {  	_ =	shalt  }
0x5e: {  	_ =	shalt  }
0x5f: {  	_ =	shalt  }
0x60: {  	_ =	shalt  }
0x61: {  	_ =	shalt  }
0x62: {  	_ =	shalt  }
0x63: {  	_ =	shalt  }
0x64: {  	_ =	shalt  }
0x65: {  	_ =	shalt  }
0x66: {  	_ =	shalt  }
0x67: {  	_ =	shalt  }
0x68: {  	_ =	shalt  }
0x69: {  	_ =	shalt  }
0x6a: {  	_ =	shalt  }
0x6b: {  	_ =	shalt  }
0x6c: {  	_ =	shalt  }
0x6d: {  	_ =	shalt  }
0x6e: {  	_ =	shalt  }
0x6f: {  	_ =	shalt  }
0x70: {  	_ =	shalt  }
0x71: {  	_ =	shalt  }
0x72: {  	_ =	shalt  }
0x73: {  	_ =	shalt  }
0x74: {  	_ =	shalt  }
0x75: {  	_ =	shalt  }
0x76: {  	_ =	shalt  }
0x77: {  	_ =	shalt  }
0x78: {  	_ =	shalt  }
0x79: {  	_ =	shalt  }
0x7a: {  	_ =	shalt  }
0x7b: {  	_ =	shalt  }
0x7c: {  	_ =	shalt  }
0x7d: {  	_ =	shalt  }
0x7e: {  	_ =	shalt  }
0x7f: {  	_ =	shalt  }
0x80: {  	_ =	shalt  }
0x81: {  	_ =	shalt  }
0x82: {  	_ =	shalt  }
0x83: {  	_ =	shalt  }
0x84: {  	_ =	shalt  }
0x85: {  	_ =	shalt  }
0x86: {  	_ =	shalt  }
0x87: {  	_ =	shalt  }
.Lfunc_end0:
.L_simem_size_0:
called_computation_lowered:
.L_overlay_start_0:
0x88: {  	s2 =	sld [smem:$0x3FD9]  }
0x89: {  	s3 =	sld [smem:$0x3FFE];
	_ =	sdelay $0x1  }
0x8a: {  	s1 =	srdreg.scid  }
0x8b: {  	s0 =	sand.u32 $0x1, s1  }
0x8c: {  	s17 =	sshll.u32 s0, $0xA;
	s2 =	sadd.s32 s3, s2  }
0x8d: {  	s2 =	sadd.s32 s2, s17  }
0x8e: {  	[smem:$0x3FBC] =	sst s2  }
0x8f: {  	_ = 	snop  }
0x90: {  	s2 =	sld [smem:$0x3FC9];
	(tm) =	ssettm $0x1  }
0x91: {  	s18 =	sld [smem:$0x3FFB];
	_ =	sdelay $0x3  }
0x92: {  	_ =	strace s18  }
0x93: {  	s3 =	sld [smem:$0x3FFC];
	_ =	sdelay $0x3  }
0x94: {  	_ =	strace s3  }
0x95: {  	s3 =	sld [smem:$0x3FFD];
	_ =	sdelay $0x3  }
0x96: {  	_ =	strace s3  }
0x97: {  	_ =	strace $0x8FFFFFFF  }
0x98: {  	s19 =	sld [smem:$0x3FDB];
	_ =	sdelay $0x1  }
0x99: {  	s4 =	simm.s32 $_scs_section_size  }
0x9a: {  	s5 =	simm.s32 $_size__tile_overlayer_lowered;
	s6 =	simm.s32 $_tile_overlayer_lowered  }
0x9b: {  	s22 =	simm.s32 $0x1BFF;
	s21 =	sshll.u32 s6, $0x1;
	s3 =	sadd.s32 s4, s19  }
0x9c: {  	s7 =	simm.s32 $0x0;
	s20 =	sshll.u32 s5, $0x1;
	s5 =	sadd.s32 s21, s3  }
0x9d: {  	[timem:s7], [sflag:s22] =	dma.local [hbm:s5], s20  }
0x9e: {  	_ =	swait.ge [sflag:s22], s20  }
0x9f: {  	s4 =	ssub.s32 $0x0, s20;
	[sflag:s22] =	ssyncset.done $0x0  }
0xa0: {  	[sflag:s22] =	ssyncadd.s32 s4;
	_ =	sdelay $0x1  }
0xa1: {  	s23 =	simm.s32 $0x1B8B  }
0xa2: {  	_ =	swait.ge [sflag:s23], $0x1  }
0xa3: {  	[sflag:s23] =	ssyncset.done $0x0  }
0xa4: {  	s25 =	simm.s32 $0x1B8E;
	s24 =	sld [smem:$0x3FFE];
	[sflag:s23] =	ssyncadd.s32 $0xFFFFFFFF  }
0xa5: {  	s26 =	simm.s32 $execute0_lowered;
	[smem:$0x3FD2] =	sst s25  }
0xa6: {  	s5 =	sshll.u32 s26, $0x1;
	_ =	strace $0x80000046;
	[dreg:$0x1] =	wrdreg $0xFFFFFFFF  }
0xa7: {  	s28 =	simm.s32 $_size_execute0_lowered;
	s3 =	sadd.s32 s3, s5;
	[dreg:$0x0] =	wrdreg $0x0  }
0xa8: {  	s5 =	sshll.u32 s28, $0x1;
	[dreg:$0x2] =	wrdreg s3  }
0xa9: {  	[dreg:$0x3] =	wrdreg s5  }
0xaa: {  	[dreg:$0x4] =	wrdreg $0xC0  }
0xab: {  	_ =	task [dreg:s7], $0x5FFFF  }
0xac: {  	[dreg:$0x1] =	wrdreg $0xFFFFFFFF  }
0xad: {  	[dreg:$0x0] =	wrdreg $0x60  }
0xae: {  	[dreg:$0x2] =	wrdreg s2  }
0xaf: {  	[dreg:$0x3] =	wrdreg s24  }
0xb0: {  	[dreg:$0x4] =	wrdreg $0x0  }
0xb1: {  	[dreg:$0x5] =	wrdreg $0x9  }
0xb2: {  	_ =	task.clear_ibuf [dreg:s7], $0x6FFFF;
	_ =	strace $0x90000046  }
0xb3: {  	s29 =	simm.s32 $0x9;
	_ =	strace $0x80000048  }
0xb4: {  	_ =	swait.ge [sflag:s29], $0x1  }
0xb5: {  	[sflag:s29] =	ssyncadd.s32 $0xFFFFFFFF  }
0xb6: {  	_ =	strace $0x90000048  }
0xb7: {  	_ =	sfence  }
0xb8: {  	s30 =	sld [smem:$0x0];
	_ =	sdelay $0x2  }
0xb9: {  	s31 =	sshll.u32 s1, $0xD;
	s1 =	sshrl.u32 s1, $0x2  }
0xba: {  	s3 =	sand.u32 $0x4000, s31;
	s1 =	sadd.s32 s1, s30  }
0xbb: {  	s0 =	sor.u32 s3, s0;
	s1 =	sshll.u32 s1, $0x11  }
0xbc: {  	s0 =	sor.u32 s1, s0  }
0xbd: {  	s0 =	sadd.s32 $0x8F2B, s0  }
0xbe: {  	[sflag:s0] =	ssyncadd.remote.s32 $0x1  }
0xbf: {  	_ =	sfence.sel $0xFFFF  }
0xc0: {  	[dreg:$0x0] =	wrdreg $0xFFFFFFFF;
	(pc) =	sbr.abs _section_cstart, $3  }
0xc1: {  	[dreg:$0x1] =	wrdreg $0xFFFFFFFF  }
0xc2: {  	_ =	task.clear_ibuf [dreg:s7], $0x2FFFF;
	_ =	strace $0x9FFFFFFF  }
0xc3: {  	(tm) =	ssettm $0x7FFFFFFF  }
tec
execute0_lowered:
.L_overlay_start_1:
0x0: {  	(tag) =	ssettag $0x1  }
0x1: {  	s1 =	rddreg [dreg:$0x0]  }
0x2: {  	s0 =	srdreg.scid;
	s2 =	rddreg [dreg:$0x1]  }
0x3: {  	s11 =	stileid.u32;
	s3 =	rddreg [dreg:$0x2]  }
0x4: {  	s28 =	simm.s32 $0x1C500;
	s29 =	simm.s32 $0xB;
	s7 =	smul.u32 $0x2780, s11  }
0x5: {  	s30 =	simm.s32 $0x1;
	s31 =	simm.s32 $0x4;
	s10 =	smul.u32 $0x4F000, s11  }
0x6: {  	s0 =	sand.u32 $0x1, s0;
	s4 =	sshll.u32 s11, $0x1;
	s15 =	smul.u32 $0x4EC0, s11  }
0x7: {  	s5 =	sor.u32 s0, s4;
	s4 =	simm.s32 $0x0;
	s9 =	ssub.s32 $0x2, s0  }
0x8: {  	s18 =	smul.u32 $0x2760, s0;
	p0 =	seq.s32 s0, $0x1;
	s0 =	simm.s32 $0x5  }
0x9: {  	s5 =	smul.u32 $0x2760, s5;
	[smem:$0x7FF] =	sst s4;
	s14 =	sshrl.u32 s9, $0x1  }
0xa: {  	s17 =	sshrl.u32 s10, $0x2;
	s10 =	simm.s32 $0x0;
	_ =	strace $0x80000047  }
0xb: {  	s22 =	sadd.s32 s18, s15;
	s6 =	sshrl.u32 s5, $0x3;
	s5 =	sadd.s32 $0xCC00, s2  }
0xc: {  	s24 =	sadd.s32 $0x1E0, s22;
	s8 =	sadd.s32 s6, s2;
	s16 =	sadd.s32 s5, s6  }
0xd: {  	s2 =	sadd.s32 s7, s2;
	s6 =	sadd.s32 s17, s3;
	[dreg:$0x5] =	wrdreg s16  }
0xe: {  	s7 =	ssub.s32 s9, s14;
	s8 =	sadd.s32 $0x2E00, s8;
	[dreg:$0x8] =	wrdreg s6  }
0xf: {  	s9 =	simm.s32 $0x9;
	s19 =	sadd.s32 $0xC, s16;
	[dreg:$0x4] =	wrdreg s8  }
0x10: {  	s20 =	sadd.s32 $0x18, s16;
	s21 =	sadd.s32 $0x16A00, s2;
	[dreg:$0x6] =	wrdreg s19  }
0x11: {  	s23 =	smax.u32 s7, $0x1;
	s6 =	simm.s32 $0x65A00;
	[dreg:$0x7] =	wrdreg s20  }
0x12: {  	s7 =	sshrl.u32 s24, $0x3;
	s16 =	sadd.s32 $0x120, s22;
	[dreg:$0x9] =	wrdreg s21  }
0x13: {  	s24 =	simm.s32 $0x19500;
	[dreg:$0xa] =	wrdreg s23;
	s6 =	simm.s32 @!p0 $0x3E200  }
0x14: {  	s8 =	sadd.s32 $0x180, s22;
	s25 =	sadd.s32 s7, s5;
	s19 =	simm.s32 $0x16380  }
0x15: {  	s20 =	simm.s32 $0x60;
	s21 =	simm.s32 $0x16500;
	s22 =	simm.s32 $0x16400  }
0x16: {  	s23 =	simm.s32 $0x7;
	s2 =	sadd.s32 s6, s2;
	[dreg:$0xc] =	wrdreg s25  }
0x17: {  	s26 =	sshrl.u32 s8, $0x3;
	s25 =	simm.s32 $0x16480;
	s6 =	simm.s32 $0x6  }
0x18: {  	s8 =	simm.s32 $0x8;
	[dreg:$0xb] =	wrdreg s2;
	s2 =	sadd.s32 s26, s5  }
0x19: {  	s26 =	simm.s32 $0x3;
	[dreg:$0xd] =	wrdreg s2;
	s2 =	simm.s32 $0x2  }
.LBB2_1:
0x1a: {  	s7 =	rddreg [dreg:$0x4];
	s11 =	simm.s32 $0x13C00;
	s12 =	simm.s32 $0xA  }
0x1b: {  	[tilespmem:s11], [sflag:$0xA] =	stream.linear.gather [hbm4b:s7+s4], $0x2760, $0x38;
	[tilespmem:$0x1F500] =	vst v63  }
0x1c: {  	_ =	swait.ge [sflag:s12], $0x2760  }
0x1d: {  	[sflag:s12] =	ssyncset.done $0x0  }
0x1e: {  	s13 =	rddreg [dreg:$0x5];
	[sflag:s12] =	ssyncadd.s32 $0xFFFFD8A0  }
0x1f: {  	[tilespmem:s19], [sflag:$0x4] =	stream.linear.gather [hbm4b:s13+s4], $0x60, $0x38;
	[tilespmem:$0x1F500] =	vst v63  }
0x20: {  	_ = 	snop  }
0x21: {  	[tilespmem:s21], [sflag:$0x1] =	stream.indirect.gather [hbm4b:s1+s20], $0x80, s11, s20, $0xb8;
	[tilespmem:$0x1F500] =	vst v63  }
0x22: {  	s14 =	rddreg [dreg:$0x6]  }
0x23: {  	[tilespmem:s22], [sflag:$0x5] =	stream.linear.gather [hbm4b:s14+s4], $0x60, $0x38;
	[tilespmem:$0x1F500] =	vst v63  }
0x24: {  	s15 =	simm.s32 $0x13C60;
	s17 =	rddreg [dreg:$0x7];
	s11 =	stileid.u32  }
0x25: {  	[tilespmem:s24], [sflag:$0x2] =	stream.indirect.gather [hbm4b:s1+s20], $0x80, s15, s20, $0xb8;
	[tilespmem:$0x1F500] =	vst v63  }
0x26: {  	s18 =	simm.s32 $0x13CC0;
	s12 =	rddreg [dreg:$0x8];
	s7 =	sshll.u32 s11, $0x6  }
0x27: {  	[tilespmem:s25], [sflag:$0x6] =	stream.linear.gather [hbm4b:s17+s4], $0x60, $0x38;
	[tilespmem:$0x1F500] =	vst v63  }
0x28: {  	s12 =	sshrl.u32 s12, $0x3;
	s13 =	rddreg [dreg:$0x9];
	s11 =	sor.u32 $0x1C0B, s7  }
0x29: {  	[tilespmem:s28], [sflag:$0x3] =	stream.indirect.gather [hbm4b:s1+s20], $0x80, s18, s20, $0xb8;
	[tilespmem:$0x1F500] =	vst v63  }
0x2a: {  	[spmem:s12], [sflag:s11] =	dma.local [hbm:s13], $0x2780  }
0x2b: {  	_ =	swait.ge [sflag:s29], $0x2780  }
0x2c: {  	[sflag:s29] =	ssyncset.done $0x0  }
0x2d: {  	[sflag:s29] =	ssyncadd.s32 $0xFFFFD880  }
0x2e: {  	[bflag:$0x0] =	sbarrier.arrive $0xFFFF  }
0x2f: {  	_ =	swait.ge [sflag:s30], $0x3000  }
0x30: {  	[sflag:s30] =	ssyncset.done $0x0  }
0x31: {  	[sflag:s30] =	ssyncadd.s32 $0xFFFFD000  }
0x32: {  	_ =	swait.ge [sflag:s31], $0x60  }
0x33: {  	[sflag:s31] =	ssyncset.done $0x0  }
0x34: {  	[sflag:s31] =	ssyncadd.s32 $0xFFFFFFA0  }
0x35: {  	[spmem:s3] =	stream.indirect.scatter.add.f32 [tilespmem:s21], [sflag:$0x7], $0x80, s19, s20, $0xb8;
	[tilespmem:$0x1F500] =	vst v63  }
0x36: {  	_ =	swait.ge [sflag:s2], $0x3000  }
0x37: {  	[sflag:s2] =	ssyncset.done $0x0  }
0x38: {  	[sflag:s2] =	ssyncadd.s32 $0xFFFFD000  }
0x39: {  	_ =	swait.ge [sflag:s0], $0x60  }
0x3a: {  	[sflag:s0] =	ssyncset.done $0x0  }
0x3b: {  	[sflag:s0] =	ssyncadd.s32 $0xFFFFFFA0  }
0x3c: {  	[spmem:s3] =	stream.indirect.scatter.add.f32 [tilespmem:s24], [sflag:$0x8], $0x80, s22, s20, $0xb8;
	[tilespmem:$0x1F500] =	vst v63  }
0x3d: {  	_ =	swait.ge [sflag:s23], $0x3000  }
0x3e: {  	s14 =	sshrl.u32 s16, $0x3;
	[sflag:s23] =	ssyncset.done $0x0  }
0x3f: {  	s7 =	sadd.s32 s5, s14;
	[sflag:s23] =	ssyncadd.s32 $0xFFFFD000  }
0x40: {  	[tilespmem:s19], [sflag:$0x4] =	stream.linear.gather [hbm4b:s7+s4], $0x60, $0x38;
	[tilespmem:$0x1F500] =	vst v63  }
0x41: {  	s15 =	simm.s32 $0x13D20  }
0x42: {  	[tilespmem:s21], [sflag:$0x1] =	stream.indirect.gather [hbm4b:s1+s20], $0x80, s15, s20, $0xb8;
	[tilespmem:$0x1F500] =	vst v63  }
0x43: {  	_ =	swait.ge [sflag:s26], $0x3000  }
0x44: {  	[sflag:s26] =	ssyncset.done $0x0  }
0x45: {  	[sflag:s26] =	ssyncadd.s32 $0xFFFFD000  }
0x46: {  	_ =	swait.ge [sflag:s6], $0x60  }
0x47: {  	[sflag:s6] =	ssyncset.done $0x0  }
0x48: {  	[sflag:s6] =	ssyncadd.s32 $0xFFFFFFA0  }
0x49: {  	[spmem:s3] =	stream.indirect.scatter.add.f32 [tilespmem:s28], [sflag:$0x9], $0x80, s25, s20, $0xb8;
	[tilespmem:$0x1F500] =	vst v63  }
0x4a: {  	_ =	swait.ge [sflag:s8], $0x3000  }
0x4b: {  	[sflag:s8] =	ssyncset.done $0x0  }
0x4c: {  	s18 =	rddreg [dreg:$0xd];
	[sflag:s8] =	ssyncadd.s32 $0xFFFFD000  }
0x4d: {  	[tilespmem:s22], [sflag:$0x5] =	stream.linear.gather [hbm4b:s18+s4], $0x60, $0x38;
	[tilespmem:$0x1F500] =	vst v63  }
0x4e: {  	s17 =	simm.s32 $0x13D80  }
0x4f: {  	[tilespmem:s24], [sflag:$0x2] =	stream.indirect.gather [hbm4b:s1+s20], $0x80, s17, s20, $0xb8;
	[tilespmem:$0x1F500] =	vst v63  }
0x50: {  	_ =	swait.ge [sflag:s30], $0x3000  }
0x51: {  	[sflag:s30] =	ssyncset.done $0x0  }
0x52: {  	[sflag:s30] =	ssyncadd.s32 $0xFFFFD000  }
0x53: {  	_ =	swait.ge [sflag:s31], $0x60  }
0x54: {  	[sflag:s31] =	ssyncset.done $0x0  }
0x55: {  	[sflag:s31] =	ssyncadd.s32 $0xFFFFFFA0  }
0x56: {  	[spmem:s3] =	stream.indirect.scatter.add.f32 [tilespmem:s21], [sflag:$0x7], $0x80, s19, s20, $0xb8;
	[tilespmem:$0x1F500] =	vst v63  }
0x57: {  	s14 =	simm.s32 $0x13DE0;
	s13 =	sadd.s32 $0x120, s16;
	_ =	swait.ge [sflag:s9], $0x3000  }
0x58: {  	s7 =	simm.s32 $0x480;
	[sflag:s9] =	ssyncset.done $0x0;
	s15 =	rddreg [dreg:$0xc]  }
0x59: {  	s18 =	sadd.s32 $0x24, s18;
	[sflag:s9] =	ssyncadd.s32 $0xFFFFD000;
	s17 =	sadd.s32 $0x24, s15  }
0x5a: {  	[tilespmem:s25], [sflag:$0x6] =	stream.linear.gather [hbm4b:s15+s4], $0x60, $0x38;
	[tilespmem:$0x1F500] =	vst v63  }
.LBB2_2:
0x5b: {  	[tilespmem:s28], [sflag:$0x3] =	stream.indirect.gather [hbm4b:s1+s20], $0x80, s14, s20, $0xb8;
	[tilespmem:$0x1F500] =	vst v63  }
0x5c: {  	s14 =	smov.u32 s7  }
0x5d: {  	p0 =	sne.s32 s7, $0x9480;
	s7 =	sadd.s32 $0x480, s7;
	_ =	swait.ge [sflag:s2], $0x3000  }
0x5e: {  	[sflag:s2] =	ssyncset.done $0x0  }
0x5f: {  	[sflag:s2] =	ssyncadd.s32 $0xFFFFD000  }
0x60: {  	_ =	swait.ge [sflag:s0], $0x60  }
0x61: {  	[sflag:s0] =	ssyncset.done $0x0  }
0x62: {  	[sflag:s0] =	ssyncadd.s32 $0xFFFFFFA0  }
0x63: {  	[spmem:s3] =	stream.indirect.scatter.add.f32 [tilespmem:s24], [sflag:$0x8], $0x80, s22, s20, $0xb8;
	[tilespmem:$0x1F500] =	vst v63  }
0x64: {  	_ =	swait.ge [sflag:s23], $0x3000  }
0x65: {  	s15 =	sshrl.u32 s13, $0x3;
	[sflag:s23] =	ssyncset.done $0x0  }
0x66: {  	s15 =	sadd.s32 s5, s15;
	s14 =	sshra.s32 s14, $0x2;
	[sflag:s23] =	ssyncadd.s32 $0xFFFFD000  }
0x67: {  	[tilespmem:s19], [sflag:$0x4] =	stream.linear.gather [hbm4b:s15+s4], $0x60, $0x38;
	[tilespmem:$0x1F500] =	vst v63  }
0x68: {  	s15 =	sadd.s32 $0x13D20, s14  }
0x69: {  	[tilespmem:s21], [sflag:$0x1] =	stream.indirect.gather [hbm4b:s1+s20], $0x80, s15, s20, $0xb8;
	[tilespmem:$0x1F500] =	vst v63  }
0x6a: {  	_ =	swait.ge [sflag:s26], $0x3000  }
0x6b: {  	[sflag:s26] =	ssyncset.done $0x0  }
0x6c: {  	[sflag:s26] =	ssyncadd.s32 $0xFFFFD000  }
0x6d: {  	_ =	swait.ge [sflag:s6], $0x60  }
0x6e: {  	[sflag:s6] =	ssyncset.done $0x0  }
0x6f: {  	[sflag:s6] =	ssyncadd.s32 $0xFFFFFFA0  }
0x70: {  	[spmem:s3] =	stream.indirect.scatter.add.f32 [tilespmem:s28], [sflag:$0x9], $0x80, s25, s20, $0xb8;
	[tilespmem:$0x1F500] =	vst v63  }
0x71: {  	_ =	swait.ge [sflag:s8], $0x3000  }
0x72: {  	[sflag:s8] =	ssyncset.done $0x0  }
0x73: {  	[sflag:s8] =	ssyncadd.s32 $0xFFFFD000  }
0x74: {  	[tilespmem:s22], [sflag:$0x5] =	stream.linear.gather [hbm4b:s18+s4], $0x60, $0x38;
	[tilespmem:$0x1F500] =	vst v63  }
0x75: {  	s15 =	sadd.s32 $0x13D80, s14  }
0x76: {  	[tilespmem:s24], [sflag:$0x2] =	stream.indirect.gather [hbm4b:s1+s20], $0x80, s15, s20, $0xb8;
	[tilespmem:$0x1F500] =	vst v63  }
0x77: {  	_ =	swait.ge [sflag:s30], $0x3000  }
0x78: {  	[sflag:s30] =	ssyncset.done $0x0  }
0x79: {  	[sflag:s30] =	ssyncadd.s32 $0xFFFFD000  }
0x7a: {  	_ =	swait.ge [sflag:s31], $0x60  }
0x7b: {  	[sflag:s31] =	ssyncset.done $0x0  }
0x7c: {  	[sflag:s31] =	ssyncadd.s32 $0xFFFFFFA0  }
0x7d: {  	[spmem:s3] =	stream.indirect.scatter.add.f32 [tilespmem:s21], [sflag:$0x7], $0x80, s19, s20, $0xb8;
	[tilespmem:$0x1F500] =	vst v63  }
.Ltmp0:
0x7e: {  	_ =	swait.ge [sflag:s9], $0x3000;
	(pc) =	sbr.rel @p0 .LBB2_2-.Ltmp0, $4  }
0x7f: {  	[sflag:s9] =	ssyncset.done $0x0  }
0x80: {  	s13 =	sadd.s32 $0x120, s13;
	[sflag:s9] =	ssyncadd.s32 $0xFFFFD000  }
0x81: {  	[tilespmem:s25], [sflag:$0x6] =	stream.linear.gather [hbm4b:s17+s4], $0x60, $0x38;
	[tilespmem:$0x1F500] =	vst v63  }
0x82: {  	s14 =	sadd.s32 $0x13DE0, s14;
	s18 =	sadd.s32 $0x24, s18;
	s17 =	sadd.s32 $0x24, s17  }
0x83: {  	[tilespmem:s28], [sflag:$0x3] =	stream.indirect.gather [hbm4b:s1+s20], $0x80, s14, s20, $0xb8;
	[tilespmem:$0x1F500] =	vst v63  }
0x84: {  	_ =	swait.ge [sflag:s2], $0x3000  }
0x85: {  	[sflag:s2] =	ssyncset.done $0x0  }
0x86: {  	[sflag:s2] =	ssyncadd.s32 $0xFFFFD000  }
0x87: {  	_ =	swait.ge [sflag:s0], $0x60  }
0x88: {  	[sflag:s0] =	ssyncset.done $0x0  }
0x89: {  	[sflag:s0] =	ssyncadd.s32 $0xFFFFFFA0  }
0x8a: {  	[spmem:s3] =	stream.indirect.scatter.add.f32 [tilespmem:s24], [sflag:$0x8], $0x80, s22, s20, $0xb8;
	[tilespmem:$0x1F500] =	vst v63  }
0x8b: {  	_ =	swait.ge [sflag:s26], $0x3000  }
0x8c: {  	[sflag:s26] =	ssyncset.done $0x0  }
0x8d: {  	[sflag:s26] =	ssyncadd.s32 $0xFFFFD000  }
0x8e: {  	_ =	swait.ge [sflag:s6], $0x60  }
0x8f: {  	[sflag:s6] =	ssyncset.done $0x0  }
0x90: {  	[sflag:s6] =	ssyncadd.s32 $0xFFFFFFA0  }
0x91: {  	[spmem:s3] =	stream.indirect.scatter.add.f32 [tilespmem:s28], [sflag:$0x9], $0x80, s25, s20, $0xb8;
	[tilespmem:$0x1F500] =	vst v63  }
0x92: {  	_ =	swait.ge [sflag:s23], $0x3000  }
0x93: {  	[sflag:s23] =	ssyncset.done $0x0  }
0x94: {  	[sflag:s23] =	ssyncadd.s32 $0xFFFFD000  }
0x95: {  	_ =	swait.ge [sflag:s8], $0x3000  }
0x96: {  	[sflag:s8] =	ssyncset.done $0x0  }
0x97: {  	[sflag:s8] =	ssyncadd.s32 $0xFFFFD000  }
0x98: {  	_ =	swait.ge [sflag:s9], $0x3000  }
0x99: {  	[sflag:s9] =	ssyncset.done $0x0  }
0x9a: {  	[sflag:s9] =	ssyncadd.s32 $0xFFFFD000  }
0x9b: {  	[bflag:$0x0] =	sbarrier.arrive $0xFFFF  }
0x9c: {  	s7 =	rddreg [dreg:$0xb]  }
0x9d: {  	[hbm:s7], [sflag:s11] =	dma.local [spmem:s12], $0x2780  }
0x9e: {  	_ =	swait.ge [sflag:s29], $0x2780  }
0x9f: {  	s10 =	sadd.s32 $0x1, s10;
	s18 =	rddreg [dreg:$0xa]  }
0xa0: {  	p0 =	sne.s32 s10, s18  }
.Ltmp1:
0xa1: {  	_ = 	snop;
	(pc) =	sbr.rel @p0 .LBB2_1-.Ltmp1, $3  }
0xa2: {  	_ =	sdelay $0x1  }
0xa3: {  	[sflag:s29] =	ssyncset.done $0x0  }
0xa4: {  	[sflag:s29] =	ssyncadd.s32 $0xFFFFD880  }
0xa5: {  	_ =	sfence.sel $0x180000  }
0xa6: {  	[bflag:$0x0] =	sbarrier.arrive $0xFFFF  }
0xa7: {  	_ =	strace $0x90000047  }
0xa8: {  	s0 =	stileid.u32;
	[bflag:$0x2] =	sbarrier.arrive $0xFFFF  }
0xa9: {  	p0 =	sne.s32 s0, $0x0;
	s0 =	rddreg [dreg:$0x3]  }
0xaa: {  	s0 =	sadd.s32 @!p0 $0x100000, s0  }
0xab: {  	[sflag:s0] =	ssyncadd.tile.s32 @!p0 $0x1;
	_ =	shalt  }
.Lfunc_end2:
_tile_overlayer_lowered:
.L_overlay_start_2:
0xac: {  	(tag) =	ssettag $0x2  }
0xad: {  	s0 =	rddreg [dreg:$0x0];
	s2 =	stileid.u32  }
0xae: {  	s1 =	rddreg [dreg:$0x1];
	p0 =	sne.s32 s2, $0x0  }
0xaf: {  	s3 =	rddreg [dreg:$0x2];
	[bflag:$0x3] =	sbarrier.arrive $0xFFFF;
	s2 =	simm.s32 @!p0 $0x1C0B  }
0xb0: {  	[timem:s3], [sflag:s2] =	dma.local @!p0 [hbm:s0], s1  }
0xb1: {  	s0 =	simm.s32 @!p0 $0xB  }
0xb2: {  	_ =	swait.ge @!p0 [sflag:s0], s1  }
0xb3: {  	s1 =	ssub.s32 @!p0 $0x0, s1;
	[sflag:s0] =	ssyncset.done @!p0 $0x0  }
0xb4: {  	[sflag:s0] =	ssyncadd.s32 @!p0 s1  }
0xb5: {  	[bflag:$0x3] =	sbarrier.arrive $0xFFFF  }
0xb6: {  	_ =	shalt  }

// kernel: kernel.9.cloned.1.call-start
scs
__scs_entry_jumppad:
0x0: {  	(pc) =	sbr.rel $0x88, $3  }
0x1: {  	(tag) =	ssettag $0x0;
	lr =	simm.s32 $0x1  }
0x2: {  	[smem:$0x3F95] =	sst lr;
	_ =	strace $0xD0000000  }
0x3: {  	_ = 	snop  }
0x4: {  	_ = 	snop  }
0x5: {  	_ = 	snop  }
0x6: {  	_ = 	snop  }
0x7: {  	_ = 	snop  }
__scs_overlays_trampoline_lowered:
0x8: {  	[smem:$0x3FA4] =	sst s0  }
0x9: {  	[smem:$0x3FA5] =	sst s1  }
0xa: {  	[smem:$0x3FA6] =	sst s2  }
0xb: {  	[smem:$0x3FA7] =	sst s3  }
0xc: {  	[smem:$0x3FA8] =	sst s4  }
0xd: {  	[smem:$0x3FA9] =	sst s5  }
0xe: {  	[smem:$0x3FAA] =	sst s6  }
0xf: {  	[smem:$0x3FAB] =	sst s7  }
0x10: {  	[smem:$0x3FAC] =	sst s8  }
0x11: {  	[smem:$0x3FAD] =	sst s9;
	s0 =	simm.s32 @!p0 $0x0  }
0x12: {  	s1 =	sld [smem:$0x3F93];
	s0 =	simm.s32 @p0 $0x1  }
0x13: {  	[smem:$0x3FAE] =	sst s0;
	s0 =	simm.s32 @!p1 $0x0  }
0x14: {  	s2 =	sld [smem:$0x3F92];
	s0 =	simm.s32 @p1 $0x1  }
0x15: {  	[smem:$0x3FAF] =	sst s0;
	s0 =	simm.s32 @!p2 $0x0  }
0x16: {  	s3 =	sld [smem:$0x3FDB];
	s0 =	simm.s32 @p2 $0x1  }
0x17: {  	s4 =	simm.s32 $0x1BF5;
	[smem:$0x3FB1] =	sst s0  }
0x18: {  	s0 =	sld [smem:$0x3F94];
	_ =	swait.ge [sflag:s4], $0x0  }
0x19: {  	s7 =	sld [smem:$0x3F95]  }
0x1a: {  	s8 =	sadd.s32 $0xFFFFE003, lr  }
0x1b: {  	s9 =	sadd.s32 $0xFFFFFEF7, lr;
	s5 =	simm.s32 $0xFFFFFFFF;
	p2 =	slt.u32 s8, $0xFFFFF086  }
0x1c: {  	p1 =	slt.u32 s9, $0xF7A;
	s5 =	simm.s32 @!p2 $0x0  }
0x1d: {  	s5 =	simm.s32 @p1 $0x1;
	p0 =	seq.s32 s7, s2  }
0x1e: {  	s7 =	smul.u32 @!p0 $0xF7A, s2;
	p2 =	seq.s32 @!p0 s5, $0x0  }
0x1f: {  	s9 =	smul.u32 $0xF7A, s1;
	s8 =	simm.s32 @!p0 $0x1BF5;
	p2 =	por !p2, p0  }
0x20: {  	[sflag:s8] =	ssyncset.s32 @!p0 $0xFFFFF086;
	s6 =	sadd.s32 @!p0 s3, s7;
	s7 =	simm.s32 @!p0 $0x108  }
0x21: {  	s3 =	sadd.s32 s3, s9;
	s6 =	sadd.s32 @!p0 $0x88, s6;
	s7 =	simm.s32 @p2 $0x1082  }
0x22: {  	[simem:s7], [sflag:s8] =	dma.local @!p0 [hbm:s6], $0xF7A  }
0x23: {  	s9 =	sor.u32 $0xD0000000, s2;
	s6 =	simm.s32 $0x108;
	_ =	swait.ge @!p0 [sflag:s8], $0x0  }
0x24: {  	s3 =	sadd.s32 $0x88, s3;
	s6 =	simm.s32 @!p1 $0x1082;
	[sflag:s4] =	ssyncset.s32 $0xFFFFF086  }
0x25: {  	[simem:s6], [sflag:s4] =	dma.local [hbm:s3], $0xF7A  }
0x26: {  	[smem:$0x3F95] =	sst s1;
	(tag) =	ssettag s2;
	_ =	strace s9  }
0x27: {  	s1 =	sld [smem:$0x3FA5]  }
0x28: {  	s2 =	sld [smem:$0x3FA6]  }
0x29: {  	s4 =	sld [smem:$0x3FA8]  }
0x2a: {  	p0 =	seq.s32 s5, $0x0;
	s5 =	sld [smem:$0x3FA9]  }
0x2b: {  	s6 =	sld [smem:$0x3FAA]  }
0x2c: {  	s7 =	sld [smem:$0x3FAB]  }
0x2d: {  	s3 =	simm.s32 $0x108;
	s8 =	sld [smem:$0x3FAC]  }
0x2e: {  	s3 =	simm.s32 @!p0 $0x1082;
	s9 =	sld [smem:$0x3FAD]  }
0x2f: {  	lr =	sadd.s32 s0, s3;
	s0 =	sld [smem:$0x3FA4]  }
0x30: {  	s3 =	sld [smem:$0x3FA7]  }
0x31: {  	[smem:$0x3FB0] =	sst s10  }
0x32: {  	s10 =	sld [smem:$0x3FAE];
	_ =	sdelay $0x3  }
0x33: {  	p0 =	seq.s32 s10, $0x1;
	s10 =	sld [smem:$0x3FB0];
	_ =	sdelay $0x3  }
0x34: {  	[smem:$0x3FB0] =	sst s10  }
0x35: {  	s10 =	sld [smem:$0x3FAF];
	_ =	sdelay $0x3  }
0x36: {  	p1 =	seq.s32 s10, $0x1;
	s10 =	sld [smem:$0x3FB0];
	_ =	sdelay $0x3  }
0x37: {  	[smem:$0x3FB0] =	sst s10  }
0x38: {  	s10 =	sld [smem:$0x3FB1]  }
0x39: {  	_ = 	snop;
	(pc) =	sbr.ind lr, $3  }
0x3a: {  	_ = 	snop  }
0x3b: {  	_ = 	snop  }
0x3c: {  	p2 =	seq.s32 s10, $0x1;
	s10 =	sld [smem:$0x3FB0]  }
0x3d: {  	_ =	shalt  }
0x3e: {  	_ =	shalt  }
0x3f: {  	_ =	shalt  }
0x40: {  	_ =	shalt  }
0x41: {  	_ =	shalt  }
0x42: {  	_ =	shalt  }
0x43: {  	_ =	shalt  }
0x44: {  	_ =	shalt  }
0x45: {  	_ =	shalt  }
0x46: {  	_ =	shalt  }
0x47: {  	_ =	shalt  }
0x48: {  	_ =	shalt  }
0x49: {  	_ =	shalt  }
0x4a: {  	_ =	shalt  }
0x4b: {  	_ =	shalt  }
0x4c: {  	_ =	shalt  }
0x4d: {  	_ =	shalt  }
0x4e: {  	_ =	shalt  }
0x4f: {  	_ =	shalt  }
0x50: {  	_ =	shalt  }
0x51: {  	_ =	shalt  }
0x52: {  	_ =	shalt  }
0x53: {  	_ =	shalt  }
0x54: {  	_ =	shalt  }
0x55: {  	_ =	shalt  }
0x56: {  	_ =	shalt  }
0x57: {  	_ =	shalt  }
0x58: {  	_ =	shalt  }
0x59: {  	_ =	shalt  }
0x5a: {  	_ =	shalt  }
0x5b: {  	_ =	shalt  }
0x5c: {  	_ =	shalt  }
0x5d: {  	_ =	shalt  }
0x5e: {  	_ =	shalt  }
0x5f: {  	_ =	shalt  }
0x60: {  	_ =	shalt  }
0x61: {  	_ =	shalt  }
0x62: {  	_ =	shalt  }
0x63: {  	_ =	shalt  }
0x64: {  	_ =	shalt  }
0x65: {  	_ =	shalt  }
0x66: {  	_ =	shalt  }
0x67: {  	_ =	shalt  }
0x68: {  	_ =	shalt  }
0x69: {  	_ =	shalt  }
0x6a: {  	_ =	shalt  }
0x6b: {  	_ =	shalt  }
0x6c: {  	_ =	shalt  }
0x6d: {  	_ =	shalt  }
0x6e: {  	_ =	shalt  }
0x6f: {  	_ =	shalt  }
0x70: {  	_ =	shalt  }
0x71: {  	_ =	shalt  }
0x72: {  	_ =	shalt  }
0x73: {  	_ =	shalt  }
0x74: {  	_ =	shalt  }
0x75: {  	_ =	shalt  }
0x76: {  	_ =	shalt  }
0x77: {  	_ =	shalt  }
0x78: {  	_ =	shalt  }
0x79: {  	_ =	shalt  }
0x7a: {  	_ =	shalt  }
0x7b: {  	_ =	shalt  }
0x7c: {  	_ =	shalt  }
0x7d: {  	_ =	shalt  }
0x7e: {  	_ =	shalt  }
0x7f: {  	_ =	shalt  }
0x80: {  	_ =	shalt  }
0x81: {  	_ =	shalt  }
0x82: {  	_ =	shalt  }
0x83: {  	_ =	shalt  }
0x84: {  	_ =	shalt  }
0x85: {  	_ =	shalt  }
0x86: {  	_ =	shalt  }
0x87: {  	_ =	shalt  }
.Lfunc_end0:
.L_simem_size_0:
called_computation.1_lowered:
.L_overlay_start_0:
0x88: {  	s2 =	sld [smem:$0x3FD9]  }
0x89: {  	s3 =	sld [smem:$0x3FFE];
	_ =	sdelay $0x1  }
0x8a: {  	s1 =	srdreg.scid  }
0x8b: {  	s0 =	sand.u32 $0x1, s1  }
0x8c: {  	s17 =	sshll.u32 s0, $0xA;
	s2 =	sadd.s32 s3, s2  }
0x8d: {  	s2 =	sadd.s32 s2, s17  }
0x8e: {  	[smem:$0x3FBC] =	sst s2  }
0x8f: {  	_ = 	snop  }
0x90: {  	s2 =	sld [smem:$0x3FD0];
	(tm) =	ssettm $0x1  }
0x91: {  	s18 =	sld [smem:$0x3FFB];
	_ =	sdelay $0x3  }
0x92: {  	_ =	strace s18  }
0x93: {  	s3 =	sld [smem:$0x3FFC];
	_ =	sdelay $0x3  }
0x94: {  	_ =	strace s3  }
0x95: {  	s3 =	sld [smem:$0x3FFD];
	_ =	sdelay $0x3  }
0x96: {  	_ =	strace s3  }
0x97: {  	_ =	strace $0x8FFFFFFF  }
0x98: {  	s19 =	sld [smem:$0x3FDB];
	_ =	sdelay $0x1  }
0x99: {  	s4 =	simm.s32 $_scs_section_size  }
0x9a: {  	s5 =	simm.s32 $_size__tile_overlayer_lowered;
	s6 =	simm.s32 $_tile_overlayer_lowered  }
0x9b: {  	s22 =	simm.s32 $0x1BFF;
	s21 =	sshll.u32 s6, $0x1;
	s3 =	sadd.s32 s4, s19  }
0x9c: {  	s7 =	simm.s32 $0x0;
	s20 =	sshll.u32 s5, $0x1;
	s5 =	sadd.s32 s21, s3  }
0x9d: {  	[timem:s7], [sflag:s22] =	dma.local [hbm:s5], s20  }
0x9e: {  	_ =	swait.ge [sflag:s22], s20  }
0x9f: {  	s4 =	ssub.s32 $0x0, s20;
	[sflag:s22] =	ssyncset.done $0x0  }
0xa0: {  	[sflag:s22] =	ssyncadd.s32 s4;
	_ =	sdelay $0x1  }
0xa1: {  	s23 =	simm.s32 $0x1B8B  }
0xa2: {  	_ =	swait.ge [sflag:s23], $0x1  }
0xa3: {  	[sflag:s23] =	ssyncset.done $0x0  }
0xa4: {  	s25 =	simm.s32 $0x1B8E;
	s24 =	sld [smem:$0x3FFE];
	[sflag:s23] =	ssyncadd.s32 $0xFFFFFFFF  }
0xa5: {  	s26 =	simm.s32 $execute0_lowered;
	[smem:$0x3FD2] =	sst s25  }
0xa6: {  	s5 =	sshll.u32 s26, $0x1;
	_ =	strace $0x80000049;
	[dreg:$0x1] =	wrdreg $0xFFFFFFFF  }
0xa7: {  	s28 =	simm.s32 $_size_execute0_lowered;
	s3 =	sadd.s32 s3, s5;
	[dreg:$0x0] =	wrdreg $0x0  }
0xa8: {  	s5 =	sshll.u32 s28, $0x1;
	[dreg:$0x2] =	wrdreg s3  }
0xa9: {  	[dreg:$0x3] =	wrdreg s5  }
0xaa: {  	[dreg:$0x4] =	wrdreg $0xC0  }
0xab: {  	_ =	task [dreg:s7], $0x5FFFF  }
0xac: {  	[dreg:$0x1] =	wrdreg $0xFFFFFFFF  }
0xad: {  	[dreg:$0x0] =	wrdreg $0x60  }
0xae: {  	[dreg:$0x2] =	wrdreg s2  }
0xaf: {  	[dreg:$0x3] =	wrdreg s24  }
0xb0: {  	[dreg:$0x4] =	wrdreg $0x0  }
0xb1: {  	[dreg:$0x5] =	wrdreg $0x9  }
0xb2: {  	_ =	task.clear_ibuf [dreg:s7], $0x6FFFF;
	_ =	strace $0x90000049  }
0xb3: {  	s29 =	simm.s32 $0x9;
	_ =	strace $0x8000004B  }
0xb4: {  	_ =	swait.ge [sflag:s29], $0x1  }
0xb5: {  	[sflag:s29] =	ssyncadd.s32 $0xFFFFFFFF  }
0xb6: {  	_ =	strace $0x9000004B  }
0xb7: {  	_ =	sfence  }
0xb8: {  	s30 =	sld [smem:$0x0];
	_ =	sdelay $0x2  }
0xb9: {  	s31 =	sshll.u32 s1, $0xD;
	s1 =	sshrl.u32 s1, $0x2  }
0xba: {  	s3 =	sand.u32 $0x4000, s31;
	s1 =	sadd.s32 s1, s30  }
0xbb: {  	s0 =	sor.u32 s3, s0;
	s1 =	sshll.u32 s1, $0x11  }
0xbc: {  	s0 =	sor.u32 s1, s0  }
0xbd: {  	s0 =	sadd.s32 $0x8F2B, s0  }
0xbe: {  	[sflag:s0] =	ssyncadd.remote.s32 $0x1  }
0xbf: {  	_ =	sfence.sel $0xFFFF  }
0xc0: {  	[dreg:$0x0] =	wrdreg $0xFFFFFFFF;
	(pc) =	sbr.abs _section_cstart, $3  }
0xc1: {  	[dreg:$0x1] =	wrdreg $0xFFFFFFFF  }
0xc2: {  	_ =	task.clear_ibuf [dreg:s7], $0x2FFFF;
	_ =	strace $0x9FFFFFFF  }
0xc3: {  	(tm) =	ssettm $0x7FFFFFFF  }
tec
execute0_lowered:
.L_overlay_start_1:
0x0: {  	(tag) =	ssettag $0x1  }
0x1: {  	s1 =	rddreg [dreg:$0x0]  }
0x2: {  	s0 =	srdreg.scid;
	s2 =	rddreg [dreg:$0x1]  }
0x3: {  	s11 =	stileid.u32;
	s3 =	rddreg [dreg:$0x2]  }
0x4: {  	s28 =	simm.s32 $0x1C500;
	s29 =	simm.s32 $0xB;
	s7 =	smul.u32 $0x2780, s11  }
0x5: {  	s30 =	simm.s32 $0x1;
	s31 =	simm.s32 $0x4;
	s10 =	smul.u32 $0x4F000, s11  }
0x6: {  	s0 =	sand.u32 $0x1, s0;
	s4 =	sshll.u32 s11, $0x1;
	s15 =	smul.u32 $0x4EC0, s11  }
0x7: {  	s5 =	sor.u32 s0, s4;
	s4 =	simm.s32 $0x0;
	s9 =	ssub.s32 $0x2, s0  }
0x8: {  	s18 =	smul.u32 $0x2760, s0;
	p0 =	seq.s32 s0, $0x1;
	s0 =	simm.s32 $0x5  }
0x9: {  	s5 =	smul.u32 $0x2760, s5;
	[smem:$0x7FF] =	sst s4;
	s14 =	sshrl.u32 s9, $0x1  }
0xa: {  	s17 =	sshrl.u32 s10, $0x2;
	s10 =	simm.s32 $0x0;
	_ =	strace $0x8000004A  }
0xb: {  	s22 =	sadd.s32 s18, s15;
	s6 =	sshrl.u32 s5, $0x3;
	s5 =	sadd.s32 $0xCC00, s2  }
0xc: {  	s24 =	sadd.s32 $0x1E0, s22;
	s8 =	sadd.s32 s6, s2;
	s16 =	sadd.s32 s5, s6  }
0xd: {  	s2 =	sadd.s32 s7, s2;
	s6 =	sadd.s32 s17, s3;
	[dreg:$0x5] =	wrdreg s16  }
0xe: {  	s7 =	ssub.s32 s9, s14;
	s8 =	sadd.s32 $0x2E00, s8;
	[dreg:$0x8] =	wrdreg s6  }
0xf: {  	s9 =	simm.s32 $0x9;
	s19 =	sadd.s32 $0xC, s16;
	[dreg:$0x4] =	wrdreg s8  }
0x10: {  	s20 =	sadd.s32 $0x18, s16;
	s21 =	sadd.s32 $0x16A00, s2;
	[dreg:$0x6] =	wrdreg s19  }
0x11: {  	s23 =	smax.u32 s7, $0x1;
	s6 =	simm.s32 $0x65A00;
	[dreg:$0x7] =	wrdreg s20  }
0x12: {  	s7 =	sshrl.u32 s24, $0x3;
	s16 =	sadd.s32 $0x120, s22;
	[dreg:$0x9] =	wrdreg s21  }
0x13: {  	s24 =	simm.s32 $0x19500;
	[dreg:$0xa] =	wrdreg s23;
	s6 =	simm.s32 @!p0 $0x3E200  }
0x14: {  	s8 =	sadd.s32 $0x180, s22;
	s25 =	sadd.s32 s7, s5;
	s19 =	simm.s32 $0x16380  }
0x15: {  	s20 =	simm.s32 $0x60;
	s21 =	simm.s32 $0x16500;
	s22 =	simm.s32 $0x16400  }
0x16: {  	s23 =	simm.s32 $0x7;
	s2 =	sadd.s32 s6, s2;
	[dreg:$0xc] =	wrdreg s25  }
0x17: {  	s26 =	sshrl.u32 s8, $0x3;
	s25 =	simm.s32 $0x16480;
	s6 =	simm.s32 $0x6  }
0x18: {  	s8 =	simm.s32 $0x8;
	[dreg:$0xb] =	wrdreg s2;
	s2 =	sadd.s32 s26, s5  }
0x19: {  	s26 =	simm.s32 $0x3;
	[dreg:$0xd] =	wrdreg s2;
	s2 =	simm.s32 $0x2  }
.LBB2_1:
0x1a: {  	s7 =	rddreg [dreg:$0x4];
	s11 =	simm.s32 $0x13C00;
	s12 =	simm.s32 $0xA  }
0x1b: {  	[tilespmem:s11], [sflag:$0xA] =	stream.linear.gather [hbm4b:s7+s4], $0x2760, $0x38;
	[tilespmem:$0x1F500] =	vst v63  }
0x1c: {  	_ =	swait.ge [sflag:s12], $0x2760  }
0x1d: {  	[sflag:s12] =	ssyncset.done $0x0  }
0x1e: {  	s13 =	rddreg [dreg:$0x5];
	[sflag:s12] =	ssyncadd.s32 $0xFFFFD8A0  }
0x1f: {  	[tilespmem:s19], [sflag:$0x4] =	stream.linear.gather [hbm4b:s13+s4], $0x60, $0x38;
	[tilespmem:$0x1F500] =	vst v63  }
0x20: {  	_ = 	snop  }
0x21: {  	[tilespmem:s21], [sflag:$0x1] =	stream.indirect.gather [hbm4b:s1+s20], $0x80, s11, s20, $0xb8;
	[tilespmem:$0x1F500] =	vst v63  }
0x22: {  	s14 =	rddreg [dreg:$0x6]  }
0x23: {  	[tilespmem:s22], [sflag:$0x5] =	stream.linear.gather [hbm4b:s14+s4], $0x60, $0x38;
	[tilespmem:$0x1F500] =	vst v63  }
0x24: {  	s15 =	simm.s32 $0x13C60;
	s17 =	rddreg [dreg:$0x7];
	s11 =	stileid.u32  }
0x25: {  	[tilespmem:s24], [sflag:$0x2] =	stream.indirect.gather [hbm4b:s1+s20], $0x80, s15, s20, $0xb8;
	[tilespmem:$0x1F500] =	vst v63  }
0x26: {  	s18 =	simm.s32 $0x13CC0;
	s12 =	rddreg [dreg:$0x8];
	s7 =	sshll.u32 s11, $0x6  }
0x27: {  	[tilespmem:s25], [sflag:$0x6] =	stream.linear.gather [hbm4b:s17+s4], $0x60, $0x38;
	[tilespmem:$0x1F500] =	vst v63  }
0x28: {  	s12 =	sshrl.u32 s12, $0x3;
	s13 =	rddreg [dreg:$0x9];
	s11 =	sor.u32 $0x1C0B, s7  }
0x29: {  	[tilespmem:s28], [sflag:$0x3] =	stream.indirect.gather [hbm4b:s1+s20], $0x80, s18, s20, $0xb8;
	[tilespmem:$0x1F500] =	vst v63  }
0x2a: {  	[spmem:s12], [sflag:s11] =	dma.local [hbm:s13], $0x2780  }
0x2b: {  	_ =	swait.ge [sflag:s29], $0x2780  }
0x2c: {  	[sflag:s29] =	ssyncset.done $0x0  }
0x2d: {  	[sflag:s29] =	ssyncadd.s32 $0xFFFFD880  }
0x2e: {  	[bflag:$0x0] =	sbarrier.arrive $0xFFFF  }
0x2f: {  	_ =	swait.ge [sflag:s30], $0x3000  }
0x30: {  	[sflag:s30] =	ssyncset.done $0x0  }
0x31: {  	[sflag:s30] =	ssyncadd.s32 $0xFFFFD000  }
0x32: {  	_ =	swait.ge [sflag:s31], $0x60  }
0x33: {  	[sflag:s31] =	ssyncset.done $0x0  }
0x34: {  	[sflag:s31] =	ssyncadd.s32 $0xFFFFFFA0  }
0x35: {  	[spmem:s3] =	stream.indirect.scatter.add.f32 [tilespmem:s21], [sflag:$0x7], $0x80, s19, s20, $0xb8;
	[tilespmem:$0x1F500] =	vst v63  }
0x36: {  	_ =	swait.ge [sflag:s2], $0x3000  }
0x37: {  	[sflag:s2] =	ssyncset.done $0x0  }
0x38: {  	[sflag:s2] =	ssyncadd.s32 $0xFFFFD000  }
0x39: {  	_ =	swait.ge [sflag:s0], $0x60  }
0x3a: {  	[sflag:s0] =	ssyncset.done $0x0  }
0x3b: {  	[sflag:s0] =	ssyncadd.s32 $0xFFFFFFA0  }
0x3c: {  	[spmem:s3] =	stream.indirect.scatter.add.f32 [tilespmem:s24], [sflag:$0x8], $0x80, s22, s20, $0xb8;
	[tilespmem:$0x1F500] =	vst v63  }
0x3d: {  	_ =	swait.ge [sflag:s23], $0x3000  }
0x3e: {  	s14 =	sshrl.u32 s16, $0x3;
	[sflag:s23] =	ssyncset.done $0x0  }
0x3f: {  	s7 =	sadd.s32 s5, s14;
	[sflag:s23] =	ssyncadd.s32 $0xFFFFD000  }
0x40: {  	[tilespmem:s19], [sflag:$0x4] =	stream.linear.gather [hbm4b:s7+s4], $0x60, $0x38;
	[tilespmem:$0x1F500] =	vst v63  }
0x41: {  	s15 =	simm.s32 $0x13D20  }
0x42: {  	[tilespmem:s21], [sflag:$0x1] =	stream.indirect.gather [hbm4b:s1+s20], $0x80, s15, s20, $0xb8;
	[tilespmem:$0x1F500] =	vst v63  }
0x43: {  	_ =	swait.ge [sflag:s26], $0x3000  }
0x44: {  	[sflag:s26] =	ssyncset.done $0x0  }
0x45: {  	[sflag:s26] =	ssyncadd.s32 $0xFFFFD000  }
0x46: {  	_ =	swait.ge [sflag:s6], $0x60  }
0x47: {  	[sflag:s6] =	ssyncset.done $0x0  }
0x48: {  	[sflag:s6] =	ssyncadd.s32 $0xFFFFFFA0  }
0x49: {  	[spmem:s3] =	stream.indirect.scatter.add.f32 [tilespmem:s28], [sflag:$0x9], $0x80, s25, s20, $0xb8;
	[tilespmem:$0x1F500] =	vst v63  }
0x4a: {  	_ =	swait.ge [sflag:s8], $0x3000  }
0x4b: {  	[sflag:s8] =	ssyncset.done $0x0  }
0x4c: {  	s18 =	rddreg [dreg:$0xd];
	[sflag:s8] =	ssyncadd.s32 $0xFFFFD000  }
0x4d: {  	[tilespmem:s22], [sflag:$0x5] =	stream.linear.gather [hbm4b:s18+s4], $0x60, $0x38;
	[tilespmem:$0x1F500] =	vst v63  }
0x4e: {  	s17 =	simm.s32 $0x13D80  }
0x4f: {  	[tilespmem:s24], [sflag:$0x2] =	stream.indirect.gather [hbm4b:s1+s20], $0x80, s17, s20, $0xb8;
	[tilespmem:$0x1F500] =	vst v63  }
0x50: {  	_ =	swait.ge [sflag:s30], $0x3000  }
0x51: {  	[sflag:s30] =	ssyncset.done $0x0  }
0x52: {  	[sflag:s30] =	ssyncadd.s32 $0xFFFFD000  }
0x53: {  	_ =	swait.ge [sflag:s31], $0x60  }
0x54: {  	[sflag:s31] =	ssyncset.done $0x0  }
0x55: {  	[sflag:s31] =	ssyncadd.s32 $0xFFFFFFA0  }
0x56: {  	[spmem:s3] =	stream.indirect.scatter.add.f32 [tilespmem:s21], [sflag:$0x7], $0x80, s19, s20, $0xb8;
	[tilespmem:$0x1F500] =	vst v63  }
0x57: {  	s14 =	simm.s32 $0x13DE0;
	s13 =	sadd.s32 $0x120, s16;
	_ =	swait.ge [sflag:s9], $0x3000  }
0x58: {  	s7 =	simm.s32 $0x480;
	[sflag:s9] =	ssyncset.done $0x0;
	s15 =	rddreg [dreg:$0xc]  }
0x59: {  	s18 =	sadd.s32 $0x24, s18;
	[sflag:s9] =	ssyncadd.s32 $0xFFFFD000;
	s17 =	sadd.s32 $0x24, s15  }
0x5a: {  	[tilespmem:s25], [sflag:$0x6] =	stream.linear.gather [hbm4b:s15+s4], $0x60, $0x38;
	[tilespmem:$0x1F500] =	vst v63  }
.LBB2_2:
0x5b: {  	[tilespmem:s28], [sflag:$0x3] =	stream.indirect.gather [hbm4b:s1+s20], $0x80, s14, s20, $0xb8;
	[tilespmem:$0x1F500] =	vst v63  }
0x5c: {  	s14 =	smov.u32 s7  }
0x5d: {  	p0 =	sne.s32 s7, $0x9480;
	s7 =	sadd.s32 $0x480, s7;
	_ =	swait.ge [sflag:s2], $0x3000  }
0x5e: {  	[sflag:s2] =	ssyncset.done $0x0  }
0x5f: {  	[sflag:s2] =	ssyncadd.s32 $0xFFFFD000  }
0x60: {  	_ =	swait.ge [sflag:s0], $0x60  }
0x61: {  	[sflag:s0] =	ssyncset.done $0x0  }
0x62: {  	[sflag:s0] =	ssyncadd.s32 $0xFFFFFFA0  }
0x63: {  	[spmem:s3] =	stream.indirect.scatter.add.f32 [tilespmem:s24], [sflag:$0x8], $0x80, s22, s20, $0xb8;
	[tilespmem:$0x1F500] =	vst v63  }
0x64: {  	_ =	swait.ge [sflag:s23], $0x3000  }
0x65: {  	s15 =	sshrl.u32 s13, $0x3;
	[sflag:s23] =	ssyncset.done $0x0  }
0x66: {  	s15 =	sadd.s32 s5, s15;
	s14 =	sshra.s32 s14, $0x2;
	[sflag:s23] =	ssyncadd.s32 $0xFFFFD000  }
0x67: {  	[tilespmem:s19], [sflag:$0x4] =	stream.linear.gather [hbm4b:s15+s4], $0x60, $0x38;
	[tilespmem:$0x1F500] =	vst v63  }
0x68: {  	s15 =	sadd.s32 $0x13D20, s14  }
0x69: {  	[tilespmem:s21], [sflag:$0x1] =	stream.indirect.gather [hbm4b:s1+s20], $0x80, s15, s20, $0xb8;
	[tilespmem:$0x1F500] =	vst v63  }
0x6a: {  	_ =	swait.ge [sflag:s26], $0x3000  }
0x6b: {  	[sflag:s26] =	ssyncset.done $0x0  }
0x6c: {  	[sflag:s26] =	ssyncadd.s32 $0xFFFFD000  }
0x6d: {  	_ =	swait.ge [sflag:s6], $0x60  }
0x6e: {  	[sflag:s6] =	ssyncset.done $0x0  }
0x6f: {  	[sflag:s6] =	ssyncadd.s32 $0xFFFFFFA0  }
0x70: {  	[spmem:s3] =	stream.indirect.scatter.add.f32 [tilespmem:s28], [sflag:$0x9], $0x80, s25, s20, $0xb8;
	[tilespmem:$0x1F500] =	vst v63  }
0x71: {  	_ =	swait.ge [sflag:s8], $0x3000  }
0x72: {  	[sflag:s8] =	ssyncset.done $0x0  }
0x73: {  	[sflag:s8] =	ssyncadd.s32 $0xFFFFD000  }
0x74: {  	[tilespmem:s22], [sflag:$0x5] =	stream.linear.gather [hbm4b:s18+s4], $0x60, $0x38;
	[tilespmem:$0x1F500] =	vst v63  }
0x75: {  	s15 =	sadd.s32 $0x13D80, s14  }
0x76: {  	[tilespmem:s24], [sflag:$0x2] =	stream.indirect.gather [hbm4b:s1+s20], $0x80, s15, s20, $0xb8;
	[tilespmem:$0x1F500] =	vst v63  }
0x77: {  	_ =	swait.ge [sflag:s30], $0x3000  }
0x78: {  	[sflag:s30] =	ssyncset.done $0x0  }
0x79: {  	[sflag:s30] =	ssyncadd.s32 $0xFFFFD000  }
0x7a: {  	_ =	swait.ge [sflag:s31], $0x60  }
0x7b: {  	[sflag:s31] =	ssyncset.done $0x0  }
0x7c: {  	[sflag:s31] =	ssyncadd.s32 $0xFFFFFFA0  }
0x7d: {  	[spmem:s3] =	stream.indirect.scatter.add.f32 [tilespmem:s21], [sflag:$0x7], $0x80, s19, s20, $0xb8;
	[tilespmem:$0x1F500] =	vst v63  }
.Ltmp0:
0x7e: {  	_ =	swait.ge [sflag:s9], $0x3000;
	(pc) =	sbr.rel @p0 .LBB2_2-.Ltmp0, $4  }
0x7f: {  	[sflag:s9] =	ssyncset.done $0x0  }
0x80: {  	s13 =	sadd.s32 $0x120, s13;
	[sflag:s9] =	ssyncadd.s32 $0xFFFFD000  }
0x81: {  	[tilespmem:s25], [sflag:$0x6] =	stream.linear.gather [hbm4b:s17+s4], $0x60, $0x38;
	[tilespmem:$0x1F500] =	vst v63  }
0x82: {  	s14 =	sadd.s32 $0x13DE0, s14;
	s18 =	sadd.s32 $0x24, s18;
	s17 =	sadd.s32 $0x24, s17  }
0x83: {  	[tilespmem:s28], [sflag:$0x3] =	stream.indirect.gather [hbm4b:s1+s20], $0x80, s14, s20, $0xb8;
	[tilespmem:$0x1F500] =	vst v63  }
0x84: {  	_ =	swait.ge [sflag:s2], $0x3000  }
0x85: {  	[sflag:s2] =	ssyncset.done $0x0  }
0x86: {  	[sflag:s2] =	ssyncadd.s32 $0xFFFFD000  }
0x87: {  	_ =	swait.ge [sflag:s0], $0x60  }
0x88: {  	[sflag:s0] =	ssyncset.done $0x0  }
0x89: {  	[sflag:s0] =	ssyncadd.s32 $0xFFFFFFA0  }
0x8a: {  	[spmem:s3] =	stream.indirect.scatter.add.f32 [tilespmem:s24], [sflag:$0x8], $0x80, s22, s20, $0xb8;
	[tilespmem:$0x1F500] =	vst v63  }
0x8b: {  	_ =	swait.ge [sflag:s26], $0x3000  }
0x8c: {  	[sflag:s26] =	ssyncset.done $0x0  }
0x8d: {  	[sflag:s26] =	ssyncadd.s32 $0xFFFFD000  }
0x8e: {  	_ =	swait.ge [sflag:s6], $0x60  }
0x8f: {  	[sflag:s6] =	ssyncset.done $0x0  }
0x90: {  	[sflag:s6] =	ssyncadd.s32 $0xFFFFFFA0  }
0x91: {  	[spmem:s3] =	stream.indirect.scatter.add.f32 [tilespmem:s28], [sflag:$0x9], $0x80, s25, s20, $0xb8;
	[tilespmem:$0x1F500] =	vst v63  }
0x92: {  	_ =	swait.ge [sflag:s23], $0x3000  }
0x93: {  	[sflag:s23] =	ssyncset.done $0x0  }
0x94: {  	[sflag:s23] =	ssyncadd.s32 $0xFFFFD000  }
0x95: {  	_ =	swait.ge [sflag:s8], $0x3000  }
0x96: {  	[sflag:s8] =	ssyncset.done $0x0  }
0x97: {  	[sflag:s8] =	ssyncadd.s32 $0xFFFFD000  }
0x98: {  	_ =	swait.ge [sflag:s9], $0x3000  }
0x99: {  	[sflag:s9] =	ssyncset.done $0x0  }
0x9a: {  	[sflag:s9] =	ssyncadd.s32 $0xFFFFD000  }
0x9b: {  	[bflag:$0x0] =	sbarrier.arrive $0xFFFF  }
0x9c: {  	s7 =	rddreg [dreg:$0xb]  }
0x9d: {  	[hbm:s7], [sflag:s11] =	dma.local [spmem:s12], $0x2780  }
0x9e: {  	_ =	swait.ge [sflag:s29], $0x2780  }
0x9f: {  	s10 =	sadd.s32 $0x1, s10;
	s18 =	rddreg [dreg:$0xa]  }
0xa0: {  	p0 =	sne.s32 s10, s18  }
.Ltmp1:
0xa1: {  	_ = 	snop;
	(pc) =	sbr.rel @p0 .LBB2_1-.Ltmp1, $3  }
0xa2: {  	_ =	sdelay $0x1  }
0xa3: {  	[sflag:s29] =	ssyncset.done $0x0  }
0xa4: {  	[sflag:s29] =	ssyncadd.s32 $0xFFFFD880  }
0xa5: {  	_ =	sfence.sel $0x180000  }
0xa6: {  	[bflag:$0x0] =	sbarrier.arrive $0xFFFF  }
0xa7: {  	_ =	strace $0x9000004A  }
0xa8: {  	s0 =	stileid.u32;
	[bflag:$0x2] =	sbarrier.arrive $0xFFFF  }
0xa9: {  	p0 =	sne.s32 s0, $0x0;
	s0 =	rddreg [dreg:$0x3]  }
0xaa: {  	s0 =	sadd.s32 @!p0 $0x100000, s0  }
0xab: {  	[sflag:s0] =	ssyncadd.tile.s32 @!p0 $0x1;
	_ =	shalt  }
.Lfunc_end2:
_tile_overlayer_lowered:
.L_overlay_start_2:
0xac: {  	(tag) =	ssettag $0x2  }
0xad: {  	s0 =	rddreg [dreg:$0x0];
	s2 =	stileid.u32  }
0xae: {  	s1 =	rddreg [dreg:$0x1];
	p0 =	sne.s32 s2, $0x0  }
0xaf: {  	s3 =	rddreg [dreg:$0x2];
	[bflag:$0x3] =	sbarrier.arrive $0xFFFF;
	s2 =	simm.s32 @!p0 $0x1C0B  }
0xb0: {  	[timem:s3], [sflag:s2] =	dma.local @!p0 [hbm:s0], s1  }
0xb1: {  	s0 =	simm.s32 @!p0 $0xB  }
0xb2: {  	_ =	swait.ge @!p0 [sflag:s0], s1  }
0xb3: {  	s1 =	ssub.s32 @!p0 $0x0, s1;
	[sflag:s0] =	ssyncset.done @!p0 $0x0  }
0xb4: {  	[sflag:s0] =	ssyncadd.s32 @!p0 s1  }
0xb5: {  	[bflag:$0x3] =	sbarrier.arrive $0xFFFF  }
0xb6: {  	_ =	shalt  }

</sc_bundles>
